<compile_context>
chip_gen: v7x
topology: tpu7x:2x2x1
jax: 0.10.2.dev20260603
libtpu: 0.0.44.dev20260713+nightly
codegen_flags: <defaults>
</compile_context>

<pallas_src>
import functools

import jax
import jax.numpy as jnp
from jax import lax
from jax.experimental import pallas as pl
from jax.experimental.pallas import tpu as pltpu
from jax.experimental.pallas import tpu_sc as plsc

DIM = 128
BRAND_DIM = 16
N_BRANDS = 1000
BATCH = 16384

NC = 2
NS = 16
NW = NC * NS
BPW = BATCH // NW
CHUNK = 128
K = BPW // CHUNK
G = BPW // 16

_SC_PARAMS = pltpu.CompilerParams(needs_layout_passes=False,
                                  use_tc_tiling_on_sc=False)


@functools.cache
def _make_sc_brand():
    mesh = plsc.VectorSubcoreMesh(core_axis_name="c", subcore_axis_name="s")

    @functools.partial(
        pl.kernel,
        mesh=mesh,
        compiler_params=_SC_PARAMS,
        out_type=jax.ShapeDtypeStruct((BATCH, BRAND_DIM), jnp.float32),
        scratch_types=[
            pltpu.VMEM((K, CHUNK), jnp.int32),
            pltpu.VMEM((BPW, BRAND_DIM), jnp.float32),
            pltpu.SemaphoreType.DMA,
        ],
    )
    def _sc_brand(bidx_hbm, brands_hbm, bout, bidx_v, bout_v, sem):
        wid = lax.axis_index("s") * NC + lax.axis_index("c")
        base = wid * BPW
        pltpu.sync_copy(bidx_hbm.at[wid], bidx_v)
        copies = [
            pltpu.async_copy(brands_hbm.at[bidx_v.at[j]],
                             bout_v.at[pl.ds(j * CHUNK, CHUNK)], sem)
            for j in range(K)
        ]
        for c in copies:
            c.wait()
        pltpu.sync_copy(bout_v, bout.at[pl.ds(base, BPW)])

    return _sc_brand


@functools.cache
def _make_sc_gather():
    mesh = plsc.VectorSubcoreMesh(core_axis_name="c", subcore_axis_name="s")

    @functools.partial(
        pl.kernel,
        mesh=mesh,
        compiler_params=_SC_PARAMS,
        out_type=(
            jax.ShapeDtypeStruct((BATCH, DIM), jnp.float32),
            jax.ShapeDtypeStruct((BATCH, DIM), jnp.float32),
        ),
        scratch_types=[
            pltpu.VMEM((K, CHUNK), jnp.int32),
            pltpu.VMEM((K, CHUNK), jnp.int32),
            pltpu.VMEM((BPW, DIM), jnp.float32),
            pltpu.SemaphoreType.DMA,
            pltpu.SemaphoreType.DMA,
        ],
    )
    def _sc_gather(uidx_hbm, iidx_hbm, users_hbm, items_hbm,
                   uout, iout, uidx_v, iidx_v, rows_v, gsem, wsem):
        wid = lax.axis_index("s") * NC + lax.axis_index("c")
        base = wid * BPW
        pltpu.sync_copy(uidx_hbm.at[wid], uidx_v)
        pltpu.sync_copy(iidx_hbm.at[wid], iidx_v)

        ug = [pltpu.async_copy(users_hbm.at[uidx_v.at[j]],
                               rows_v.at[pl.ds(j * CHUNK, CHUNK)], gsem)
              for j in range(K)]
        uw = []
        for j in range(K):
            ug[j].wait()
            uw.append(pltpu.async_copy(rows_v.at[pl.ds(j * CHUNK, CHUNK)],
                                       uout.at[pl.ds(base + j * CHUNK, CHUNK)],
                                       wsem))
        ig = []
        for j in range(K):
            uw[j].wait()
            ig.append(pltpu.async_copy(items_hbm.at[iidx_v.at[j]],
                                       rows_v.at[pl.ds(j * CHUNK, CHUNK)], gsem))
        iw = []
        for j in range(K):
            ig[j].wait()
            iw.append(pltpu.async_copy(rows_v.at[pl.ds(j * CHUNK, CHUNK)],
                                       iout.at[pl.ds(base + j * CHUNK, CHUNK)],
                                       wsem))
        for j in range(K):
            iw[j].wait()

    return _sc_gather


BM = 4096
XCOLS = 31
FF1 = 299


def _mlp_body(u, it, br, x, w1, b1, w2, b2, w3, b3, o, w1x):
    f32 = jnp.float32

    @pl.when(pl.program_id(0) == 0)
    def _():
        w1x[...] = jnp.zeros((32, DIM), f32)
        w1x[2:18, :] = w1[272:288, :]
        w1x[20:31, :] = w1[288:299, :]

    h = jnp.dot(u[:], w1[0:DIM, :], preferred_element_type=f32)
    h = h + jnp.dot(it[:], w1[DIM:2 * DIM, :], preferred_element_type=f32)
    h = h + jnp.dot(br[:], w1[256:272, :], preferred_element_type=f32)
    h = h + jnp.dot(x[:], w1x[0:XCOLS, :], preferred_element_type=f32)
    h = jnp.maximum(h + b1[:], 0.0)
    h2 = jnp.maximum(jnp.dot(h, w2[:], preferred_element_type=f32) + b2[:], 0.0)
    o[:] = jnp.tanh(jnp.dot(h2, w3[:], preferred_element_type=f32) + b3[:])


def _mlp(u, it, br, x, w1, b1, w2, b2, w3, b3):
    grid = (BATCH // BM,)
    row = lambda i: (i, 0)
    rep = lambda i: (0, 0)
    return pl.pallas_call(
        _mlp_body,
        grid=grid,
        in_specs=[
            pl.BlockSpec((BM, DIM), row),
            pl.BlockSpec((BM, DIM), row),
            pl.BlockSpec((BM, BRAND_DIM), row),
            pl.BlockSpec((BM, XCOLS), row),
            pl.BlockSpec((FF1, DIM), rep),
            pl.BlockSpec((1, DIM), rep),
            pl.BlockSpec((DIM, 32), rep),
            pl.BlockSpec((1, 32), rep),
            pl.BlockSpec((32, 1), rep),
            pl.BlockSpec((1, 1), rep),
        ],
        out_specs=pl.BlockSpec((BM, 1), row),
        out_shape=jax.ShapeDtypeStruct((BATCH, 1), jnp.float32),
        scratch_shapes=[pltpu.VMEM((32, DIM), jnp.float32)],
    )(u, it, br, x, w1, b1, w2, b2, w3, b3)


def kernel(x, users_emb, items_emb, brands_emb, W1, b1, W2, b2, W3, b3):
    uidx = x[:, 0].astype(jnp.int32).reshape(NW, K, CHUNK)
    iidx = x[:, 1].astype(jnp.int32).reshape(NW, K, CHUNK)
    bidx = x[:, 19].astype(jnp.int32).reshape(NW, K, CHUNK)

    b_g = _make_sc_brand()(bidx, brands_emb)
    u_g, i_g = _make_sc_gather()(uidx, iidx, users_emb, items_emb)

    return _mlp(u_g, i_g, b_g, x, W1,
                b1.reshape(1, DIM), W2, b2.reshape(1, 32),
                W3, b3.reshape(1, 1))

# --- scband reference (transcript-rebuilt; emitter-appended) ---
"""Pipeline reference for scband-content-based-filtering-47794396070407 (READ-ONLY COPY).

The authoritative reference and input builder live on the scoring server;
editing this copy changes nothing except your own understanding.
"""

import jax, jax.numpy as jnp
import numpy as np

N_USERS = 1000000
N_ITEMS = 100000
N_BRANDS = 1000
DIM = 128
BRAND_DIM = 16
CAT_DIM = 16
BATCH = 16384
FF_IN = DIM + DIM + CAT_DIM + BRAND_DIM + 11  # 299


def setup_inputs(seed: int = 0) -> dict:
    key = jax.random.key(seed)
    ks = jax.random.split(key, 12)
    user_ids = jax.random.randint(ks[0], (BATCH, 1), 0, N_USERS).astype(jnp.float32)
    item_ids = jax.random.randint(ks[1], (BATCH, 1), 0, N_ITEMS).astype(jnp.float32)
    cat_and_pad = jax.random.normal(ks[2], (BATCH, 17), dtype=jnp.float32)  # cols 2:19 (16 cat + 1 unused)
    brand_ids = jax.random.randint(ks[3], (BATCH, 1), 0, N_BRANDS).astype(jnp.float32)
    other = jax.random.normal(ks[4], (BATCH, 11), dtype=jnp.float32)
    x = jnp.concatenate([user_ids, item_ids, cat_and_pad, brand_ids, other], axis=1)
    users_emb = jax.random.normal(ks[5], (N_USERS, DIM), dtype=jnp.float32) * 0.02
    items_emb = jax.random.normal(ks[6], (N_ITEMS, DIM), dtype=jnp.float32) * 0.02
    brands_emb = jax.random.normal(ks[7], (N_BRANDS, BRAND_DIM), dtype=jnp.float32) * 0.02
    W1 = jax.random.normal(ks[8], (FF_IN, 128), dtype=jnp.float32) * 0.02
    b1 = jnp.zeros((128,), dtype=jnp.float32)
    W2 = jax.random.normal(ks[9], (128, 32), dtype=jnp.float32) * 0.02
    b2 = jnp.zeros((32,), dtype=jnp.float32)
    W3 = jax.random.normal(ks[10], (32, 1), dtype=jnp.float32) * 0.02
    b3 = jnp.zeros((1,), dtype=jnp.float32)
    return {"x": x, "users_emb": users_emb, "items_emb": items_emb, "brands_emb": brands_emb,
            "W1": W1, "b1": b1, "W2": W2, "b2": b2, "W3": W3, "b3": b3}


def reference(x, users_emb, items_emb, brands_emb, W1, b1, W2, b2, W3, b3):
    user_ids = x[:, 0].astype(jnp.int32)
    item_ids = x[:, 1].astype(jnp.int32)
    brand_ids = x[:, 19].astype(jnp.int32)
    otherfeatures = x[:, 20:]
    user_embeddings = jnp.take(users_emb, user_ids, axis=0)
    item_embeddings = jnp.take(items_emb, item_ids, axis=0)
    brand_embeddings = jnp.take(brands_emb, brand_ids, axis=0)
    category_code_embeddings = x[:, 2:18]
    hidden = jnp.concatenate((user_embeddings, item_embeddings, brand_embeddings,
                              category_code_embeddings, otherfeatures), axis=1)
    h = jnp.maximum(hidden @ W1 + b1, 0.0)
    h = jnp.maximum(h @ W2 + b2, 0.0)
    out = jnp.tanh(h @ W3 + b3)
    return out

if __name__ == "__main__":
    import jax
    _d = setup_inputs()
    print(jax.jit(kernel)(*tuple(_d.values())))

</pallas_src>

<mosaic_0001>
#map = affine_map<(d0, d1) -> (0, 0, 0)>
#map1 = affine_map<(d0, d1) -> (0, 0)>
module attributes {stable_mosaic.version = 14 : i64} {
  func.func @_sc_gather(%arg0: i32, %arg1: i32, %arg2: memref<32x4x128xi32, #tpu.memory_space<hbm>>, %arg3: memref<32x4x128xi32, #tpu.memory_space<hbm>>, %arg4: memref<1000000x128xf32, #tpu.memory_space<hbm>>, %arg5: memref<100000x128xf32, #tpu.memory_space<hbm>>, %arg6: memref<16384x128xf32, #tpu.memory_space<hbm>>, %arg7: memref<16384x128xf32, #tpu.memory_space<hbm>>, %arg8: memref<4x128xi32, #tpu.memory_space<vmem>>, %arg9: memref<4x128xi32, #tpu.memory_space<vmem>>, %arg10: memref<512x128xf32, #tpu.memory_space<vmem>>, %arg11: memref<!tpu.dma_semaphore, #tpu.memory_space<semaphore_mem>>, %arg12: memref<!tpu.dma_semaphore, #tpu.memory_space<semaphore_mem>>) attributes {dimension_semantics = [#tpu.dimension_semantics<core_parallel>, #tpu.dimension_semantics<subcore_parallel>], iteration_bounds = array<i64: 2, 16>, scalar_prefetch = 0 : i64, scratch_operands = 5 : i64, tpu.core_type = #tpu.core_type<sc_vector_subcore>, window_params = [{transform_indices = #map}, {transform_indices = #map}, {transform_indices = #map1}, {transform_indices = #map1}, {transform_indices = #map1}, {transform_indices = #map1}]} {
    %mul3A = arith.constant 2 : i32
    %mul3A_0 = arith.muli %arg1, %mul3A : i32
    %add3A = arith.addi %mul3A_0, %arg0 : i32
    %mul3A_1 = arith.constant 512 : i32
    %mul3A_2 = arith.muli %add3A, %mul3A_1 : i32
    "tpu.region"() ({
      %run_scoped3A = tpu.sem_alloc : memref<!tpu.dma_semaphore, #tpu.memory_space<semaphore_mem>>
      %dma_start3A_337 = arith.constant 0 : i32
      %dma_start3A_338 = arith.constant 0 : i32
      %dma_start3A_339 = tpu.memref_slice %arg2[%add3A, %dma_start3A_337, %dma_start3A_338] : memref<32x4x128xi32, #tpu.memory_space<hbm>> -> memref<1x4x128xi32, #tpu.memory_space<hbm>>
      %dma_start3A_340 = tpu.memref_squeeze %dma_start3A_339 : memref<1x4x128xi32, #tpu.memory_space<hbm>> -> memref<4x128xi32, #tpu.memory_space<hbm>>
      %dma_start3A_341 = arith.constant 0 : i32
      %dma_start3A_342 = arith.constant 0 : i32
      %dma_start3A_343 = tpu.memref_slice %arg2[%add3A, %dma_start3A_341, %dma_start3A_342] : memref<32x4x128xi32, #tpu.memory_space<hbm>> -> memref<1x4x128xi32, #tpu.memory_space<hbm>>
      %dma_start3A_344 = tpu.memref_squeeze %dma_start3A_343 : memref<1x4x128xi32, #tpu.memory_space<hbm>> -> memref<4x128xi32, #tpu.memory_space<hbm>>
      tpu.enqueue_dma source(%dma_start3A_344 : memref<4x128xi32, #tpu.memory_space<hbm>>) target(%arg8 : memref<4x128xi32, #tpu.memory_space<vmem>>) target_semaphore(%run_scoped3A : memref<!tpu.dma_semaphore, #tpu.memory_space<semaphore_mem>>)
      %dma_wait3A_345 = arith.constant 0 : i32
      %dma_wait3A_346 = arith.constant 0 : i32
      %dma_wait3A_347 = tpu.memref_slice %arg2[%add3A, %dma_wait3A_345, %dma_wait3A_346] : memref<32x4x128xi32, #tpu.memory_space<hbm>> -> memref<1x4x128xi32, #tpu.memory_space<hbm>>
      %dma_wait3A_348 = tpu.memref_squeeze %dma_wait3A_347 : memref<1x4x128xi32, #tpu.memory_space<hbm>> -> memref<4x128xi32, #tpu.memory_space<hbm>>
      %dma_wait3A_349 = arith.constant 0 : i32
      %dma_wait3A_350 = arith.constant 0 : i32
      %dma_wait3A_351 = tpu.memref_slice %arg2[%add3A, %dma_wait3A_349, %dma_wait3A_350] : memref<32x4x128xi32, #tpu.memory_space<hbm>> -> memref<1x4x128xi32, #tpu.memory_space<hbm>>
      %dma_wait3A_352 = tpu.memref_squeeze %dma_wait3A_351 : memref<1x4x128xi32, #tpu.memory_space<hbm>> -> memref<4x128xi32, #tpu.memory_space<hbm>>
      tpu.wait_dma2 semaphore(%run_scoped3A : memref<!tpu.dma_semaphore, #tpu.memory_space<semaphore_mem>>) src(%dma_wait3A_352 : memref<4x128xi32, #tpu.memory_space<hbm>>) dst(%arg8 : memref<4x128xi32, #tpu.memory_space<vmem>>)
      tpu.yield
    }) : () -> ()
    "tpu.region"() ({
      %run_scoped3A = tpu.sem_alloc : memref<!tpu.dma_semaphore, #tpu.memory_space<semaphore_mem>>
      %dma_start3A_337 = arith.constant 0 : i32
      %dma_start3A_338 = arith.constant 0 : i32
      %dma_start3A_339 = tpu.memref_slice %arg3[%add3A, %dma_start3A_337, %dma_start3A_338] : memref<32x4x128xi32, #tpu.memory_space<hbm>> -> memref<1x4x128xi32, #tpu.memory_space<hbm>>
      %dma_start3A_340 = tpu.memref_squeeze %dma_start3A_339 : memref<1x4x128xi32, #tpu.memory_space<hbm>> -> memref<4x128xi32, #tpu.memory_space<hbm>>
      %dma_start3A_341 = arith.constant 0 : i32
      %dma_start3A_342 = arith.constant 0 : i32
      %dma_start3A_343 = tpu.memref_slice %arg3[%add3A, %dma_start3A_341, %dma_start3A_342] : memref<32x4x128xi32, #tpu.memory_space<hbm>> -> memref<1x4x128xi32, #tpu.memory_space<hbm>>
      %dma_start3A_344 = tpu.memref_squeeze %dma_start3A_343 : memref<1x4x128xi32, #tpu.memory_space<hbm>> -> memref<4x128xi32, #tpu.memory_space<hbm>>
      tpu.enqueue_dma source(%dma_start3A_344 : memref<4x128xi32, #tpu.memory_space<hbm>>) target(%arg9 : memref<4x128xi32, #tpu.memory_space<vmem>>) target_semaphore(%run_scoped3A : memref<!tpu.dma_semaphore, #tpu.memory_space<semaphore_mem>>)
      %dma_wait3A_345 = arith.constant 0 : i32
      %dma_wait3A_346 = arith.constant 0 : i32
      %dma_wait3A_347 = tpu.memref_slice %arg3[%add3A, %dma_wait3A_345, %dma_wait3A_346] : memref<32x4x128xi32, #tpu.memory_space<hbm>> -> memref<1x4x128xi32, #tpu.memory_space<hbm>>
      %dma_wait3A_348 = tpu.memref_squeeze %dma_wait3A_347 : memref<1x4x128xi32, #tpu.memory_space<hbm>> -> memref<4x128xi32, #tpu.memory_space<hbm>>
      %dma_wait3A_349 = arith.constant 0 : i32
      %dma_wait3A_350 = arith.constant 0 : i32
      %dma_wait3A_351 = tpu.memref_slice %arg3[%add3A, %dma_wait3A_349, %dma_wait3A_350] : memref<32x4x128xi32, #tpu.memory_space<hbm>> -> memref<1x4x128xi32, #tpu.memory_space<hbm>>
      %dma_wait3A_352 = tpu.memref_squeeze %dma_wait3A_351 : memref<1x4x128xi32, #tpu.memory_space<hbm>> -> memref<4x128xi32, #tpu.memory_space<hbm>>
      tpu.wait_dma2 semaphore(%run_scoped3A : memref<!tpu.dma_semaphore, #tpu.memory_space<semaphore_mem>>) src(%dma_wait3A_352 : memref<4x128xi32, #tpu.memory_space<hbm>>) dst(%arg9 : memref<4x128xi32, #tpu.memory_space<vmem>>)
      tpu.yield
    }) : () -> ()
    %dma_start3A = arith.constant 0 : i32
    %dma_start3A_3 = arith.constant 0 : i32
    %dma_start3A_4 = arith.constant 0 : i32
    %dma_start3A_5 = tpu.memref_slice %arg10[%dma_start3A_3, %dma_start3A_4] : memref<512x128xf32, #tpu.memory_space<vmem>> -> memref<128x128xf32, #tpu.memory_space<vmem>>
    %dma_start3A_6 = arith.constant 0 : i32
    %dma_start3A_7 = tpu.memref_slice %arg8[%dma_start3A, %dma_start3A_6] : memref<4x128xi32, #tpu.memory_space<vmem>> -> memref<1x128xi32, #tpu.memory_space<vmem>>
    %dma_start3A_8 = tpu.memref_squeeze %dma_start3A_7 : memref<1x128xi32, #tpu.memory_space<vmem>> -> memref<128xi32, #tpu.memory_space<vmem>>
    %dma_start3A_9 = arith.constant 0 : i32
    %dma_start3A_10 = arith.constant 0 : i32
    %dma_start3A_11 = tpu.memref_slice %arg4[%dma_start3A_9, %dma_start3A_10] : memref<1000000x128xf32, #tpu.memory_space<hbm>> -> memref<1000000x128xf32, #tpu.memory_space<hbm>>
    tpu.enqueue_indirect_dma source(%dma_start3A_11 : memref<1000000x128xf32, #tpu.memory_space<hbm>>) target(%dma_start3A_5 : memref<128x128xf32, #tpu.memory_space<vmem>>) offsets(%dma_start3A_8 : memref<128xi32, #tpu.memory_space<vmem>>) semaphore(%arg11 : memref<!tpu.dma_semaphore, #tpu.memory_space<semaphore_mem>>)
    %dma_start3A_12 = arith.constant 1 : i32
    %dma_start3A_13 = arith.constant 128 : i32
    %dma_start3A_14 = arith.constant 0 : i32
    %dma_start3A_15 = tpu.memref_slice %arg10[%dma_start3A_13, %dma_start3A_14] : memref<512x128xf32, #tpu.memory_space<vmem>> -> memref<128x128xf32, #tpu.memory_space<vmem>>
    %dma_start3A_16 = arith.constant 0 : i32
    %dma_start3A_17 = tpu.memref_slice %arg8[%dma_start3A_12, %dma_start3A_16] : memref<4x128xi32, #tpu.memory_space<vmem>> -> memref<1x128xi32, #tpu.memory_space<vmem>>
    %dma_start3A_18 = tpu.memref_squeeze %dma_start3A_17 : memref<1x128xi32, #tpu.memory_space<vmem>> -> memref<128xi32, #tpu.memory_space<vmem>>
    %dma_start3A_19 = arith.constant 0 : i32
    %dma_start3A_20 = arith.constant 0 : i32
    %dma_start3A_21 = tpu.memref_slice %arg4[%dma_start3A_19, %dma_start3A_20] : memref<1000000x128xf32, #tpu.memory_space<hbm>> -> memref<1000000x128xf32, #tpu.memory_space<hbm>>
    tpu.enqueue_indirect_dma source(%dma_start3A_21 : memref<1000000x128xf32, #tpu.memory_space<hbm>>) target(%dma_start3A_15 : memref<128x128xf32, #tpu.memory_space<vmem>>) offsets(%dma_start3A_18 : memref<128xi32, #tpu.memory_space<vmem>>) semaphore(%arg11 : memref<!tpu.dma_semaphore, #tpu.memory_space<semaphore_mem>>)
    %dma_start3A_22 = arith.constant 2 : i32
    %dma_start3A_23 = arith.constant 256 : i32
    %dma_start3A_24 = arith.constant 0 : i32
    %dma_start3A_25 = tpu.memref_slice %arg10[%dma_start3A_23, %dma_start3A_24] : memref<512x128xf32, #tpu.memory_space<vmem>> -> memref<128x128xf32, #tpu.memory_space<vmem>>
    %dma_start3A_26 = arith.constant 0 : i32
    %dma_start3A_27 = tpu.memref_slice %arg8[%dma_start3A_22, %dma_start3A_26] : memref<4x128xi32, #tpu.memory_space<vmem>> -> memref<1x128xi32, #tpu.memory_space<vmem>>
    %dma_start3A_28 = tpu.memref_squeeze %dma_start3A_27 : memref<1x128xi32, #tpu.memory_space<vmem>> -> memref<128xi32, #tpu.memory_space<vmem>>
    %dma_start3A_29 = arith.constant 0 : i32
    %dma_start3A_30 = arith.constant 0 : i32
    %dma_start3A_31 = tpu.memref_slice %arg4[%dma_start3A_29, %dma_start3A_30] : memref<1000000x128xf32, #tpu.memory_space<hbm>> -> memref<1000000x128xf32, #tpu.memory_space<hbm>>
    tpu.enqueue_indirect_dma source(%dma_start3A_31 : memref<1000000x128xf32, #tpu.memory_space<hbm>>) target(%dma_start3A_25 : memref<128x128xf32, #tpu.memory_space<vmem>>) offsets(%dma_start3A_28 : memref<128xi32, #tpu.memory_space<vmem>>) semaphore(%arg11 : memref<!tpu.dma_semaphore, #tpu.memory_space<semaphore_mem>>)
    %dma_start3A_32 = arith.constant 3 : i32
    %dma_start3A_33 = arith.constant 384 : i32
    %dma_start3A_34 = arith.constant 0 : i32
    %dma_start3A_35 = tpu.memref_slice %arg10[%dma_start3A_33, %dma_start3A_34] : memref<512x128xf32, #tpu.memory_space<vmem>> -> memref<128x128xf32, #tpu.memory_space<vmem>>
    %dma_start3A_36 = arith.constant 0 : i32
    %dma_start3A_37 = tpu.memref_slice %arg8[%dma_start3A_32, %dma_start3A_36] : memref<4x128xi32, #tpu.memory_space<vmem>> -> memref<1x128xi32, #tpu.memory_space<vmem>>
    %dma_start3A_38 = tpu.memref_squeeze %dma_start3A_37 : memref<1x128xi32, #tpu.memory_space<vmem>> -> memref<128xi32, #tpu.memory_space<vmem>>
    %dma_start3A_39 = arith.constant 0 : i32
    %dma_start3A_40 = arith.constant 0 : i32
    %dma_start3A_41 = tpu.memref_slice %arg4[%dma_start3A_39, %dma_start3A_40] : memref<1000000x128xf32, #tpu.memory_space<hbm>> -> memref<1000000x128xf32, #tpu.memory_space<hbm>>
    tpu.enqueue_indirect_dma source(%dma_start3A_41 : memref<1000000x128xf32, #tpu.memory_space<hbm>>) target(%dma_start3A_35 : memref<128x128xf32, #tpu.memory_space<vmem>>) offsets(%dma_start3A_38 : memref<128xi32, #tpu.memory_space<vmem>>) semaphore(%arg11 : memref<!tpu.dma_semaphore, #tpu.memory_space<semaphore_mem>>)
    %dma_wait3A = arith.constant 0 : i32
    %dma_wait3A_42 = arith.constant 0 : i32
    %dma_wait3A_43 = arith.constant 0 : i32
    %dma_wait3A_44 = tpu.memref_slice %arg10[%dma_wait3A_42, %dma_wait3A_43] : memref<512x128xf32, #tpu.memory_space<vmem>> -> memref<128x128xf32, #tpu.memory_space<vmem>>
    %dma_wait3A_45 = arith.constant 0 : i32
    %dma_wait3A_46 = tpu.memref_slice %arg8[%dma_wait3A, %dma_wait3A_45] : memref<4x128xi32, #tpu.memory_space<vmem>> -> memref<1x128xi32, #tpu.memory_space<vmem>>
    %dma_wait3A_47 = tpu.memref_squeeze %dma_wait3A_46 : memref<1x128xi32, #tpu.memory_space<vmem>> -> memref<128xi32, #tpu.memory_space<vmem>>
    %dma_wait3A_48 = arith.constant 0 : i32
    %dma_wait3A_49 = arith.constant 0 : i32
    %dma_wait3A_50 = tpu.memref_slice %arg4[%dma_wait3A_48, %dma_wait3A_49] : memref<1000000x128xf32, #tpu.memory_space<hbm>> -> memref<1000000x128xf32, #tpu.memory_space<hbm>>
    tpu.wait_indirect_dma semaphore(%arg11 : memref<!tpu.dma_semaphore, #tpu.memory_space<semaphore_mem>>) src(%dma_wait3A_50 : memref<1000000x128xf32, #tpu.memory_space<hbm>>) dst(%dma_wait3A_44 : memref<128x128xf32, #tpu.memory_space<vmem>>)
    %add3A_51 = arith.constant 0 : i32
    %add3A_52 = arith.addi %mul3A_2, %add3A_51 : i32
    %dma_start3A_53 = arith.constant 0 : i32
    %dma_start3A_54 = arith.constant 0 : i32
    %dma_start3A_55 = tpu.memref_slice %arg10[%dma_start3A_53, %dma_start3A_54] : memref<512x128xf32, #tpu.memory_space<vmem>> -> memref<128x128xf32, #tpu.memory_space<vmem>>
    %dma_start3A_56 = arith.constant 0 : i32
    %dma_start3A_57 = tpu.memref_slice %arg6[%add3A_52, %dma_start3A_56] : memref<16384x128xf32, #tpu.memory_space<hbm>> -> memref<128x128xf32, #tpu.memory_space<hbm>>
    %dma_start3A_58 = arith.constant 0 : i32
    %dma_start3A_59 = tpu.memref_slice %arg6[%add3A_52, %dma_start3A_58] : memref<16384x128xf32, #tpu.memory_space<hbm>> -> memref<128x128xf32, #tpu.memory_space<hbm>>
    %dma_start3A_60 = arith.constant 0 : i32
    %dma_start3A_61 = arith.constant 0 : i32
    %dma_start3A_62 = tpu.memref_slice %arg10[%dma_start3A_60, %dma_start3A_61] : memref<512x128xf32, #tpu.memory_space<vmem>> -> memref<128x128xf32, #tpu.memory_space<vmem>>
    tpu.enqueue_dma source(%dma_start3A_62 : memref<128x128xf32, #tpu.memory_space<vmem>>) target(%dma_start3A_59 : memref<128x128xf32, #tpu.memory_space<hbm>>) target_semaphore(%arg12 : memref<!tpu.dma_semaphore, #tpu.memory_space<semaphore_mem>>)
    %dma_wait3A_63 = arith.constant 1 : i32
    %dma_wait3A_64 = arith.constant 128 : i32
    %dma_wait3A_65 = arith.constant 0 : i32
    %dma_wait3A_66 = tpu.memref_slice %arg10[%dma_wait3A_64, %dma_wait3A_65] : memref<512x128xf32, #tpu.memory_space<vmem>> -> memref<128x128xf32, #tpu.memory_space<vmem>>
    %dma_wait3A_67 = arith.constant 0 : i32
    %dma_wait3A_68 = tpu.memref_slice %arg8[%dma_wait3A_63, %dma_wait3A_67] : memref<4x128xi32, #tpu.memory_space<vmem>> -> memref<1x128xi32, #tpu.memory_space<vmem>>
    %dma_wait3A_69 = tpu.memref_squeeze %dma_wait3A_68 : memref<1x128xi32, #tpu.memory_space<vmem>> -> memref<128xi32, #tpu.memory_space<vmem>>
    %dma_wait3A_70 = arith.constant 0 : i32
    %dma_wait3A_71 = arith.constant 0 : i32
    %dma_wait3A_72 = tpu.memref_slice %arg4[%dma_wait3A_70, %dma_wait3A_71] : memref<1000000x128xf32, #tpu.memory_space<hbm>> -> memref<1000000x128xf32, #tpu.memory_space<hbm>>
    tpu.wait_indirect_dma semaphore(%arg11 : memref<!tpu.dma_semaphore, #tpu.memory_space<semaphore_mem>>) src(%dma_wait3A_72 : memref<1000000x128xf32, #tpu.memory_space<hbm>>) dst(%dma_wait3A_66 : memref<128x128xf32, #tpu.memory_space<vmem>>)
    %add3A_73 = arith.constant 128 : i32
    %add3A_74 = arith.addi %mul3A_2, %add3A_73 : i32
    %dma_start3A_75 = arith.constant 128 : i32
    %dma_start3A_76 = arith.constant 0 : i32
    %dma_start3A_77 = tpu.memref_slice %arg10[%dma_start3A_75, %dma_start3A_76] : memref<512x128xf32, #tpu.memory_space<vmem>> -> memref<128x128xf32, #tpu.memory_space<vmem>>
    %dma_start3A_78 = arith.constant 0 : i32
    %dma_start3A_79 = tpu.memref_slice %arg6[%add3A_74, %dma_start3A_78] : memref<16384x128xf32, #tpu.memory_space<hbm>> -> memref<128x128xf32, #tpu.memory_space<hbm>>
    %dma_start3A_80 = arith.constant 0 : i32
    %dma_start3A_81 = tpu.memref_slice %arg6[%add3A_74, %dma_start3A_80] : memref<16384x128xf32, #tpu.memory_space<hbm>> -> memref<128x128xf32, #tpu.memory_space<hbm>>
    %dma_start3A_82 = arith.constant 128 : i32
    %dma_start3A_83 = arith.constant 0 : i32
    %dma_start3A_84 = tpu.memref_slice %arg10[%dma_start3A_82, %dma_start3A_83] : memref<512x128xf32, #tpu.memory_space<vmem>> -> memref<128x128xf32, #tpu.memory_space<vmem>>
    tpu.enqueue_dma source(%dma_start3A_84 : memref<128x128xf32, #tpu.memory_space<vmem>>) target(%dma_start3A_81 : memref<128x128xf32, #tpu.memory_space<hbm>>) target_semaphore(%arg12 : memref<!tpu.dma_semaphore, #tpu.memory_space<semaphore_mem>>)
    %dma_wait3A_85 = arith.constant 2 : i32
    %dma_wait3A_86 = arith.constant 256 : i32
    %dma_wait3A_87 = arith.constant 0 : i32
    %dma_wait3A_88 = tpu.memref_slice %arg10[%dma_wait3A_86, %dma_wait3A_87] : memref<512x128xf32, #tpu.memory_space<vmem>> -> memref<128x128xf32, #tpu.memory_space<vmem>>
    %dma_wait3A_89 = arith.constant 0 : i32
    %dma_wait3A_90 = tpu.memref_slice %arg8[%dma_wait3A_85, %dma_wait3A_89] : memref<4x128xi32, #tpu.memory_space<vmem>> -> memref<1x128xi32, #tpu.memory_space<vmem>>
    %dma_wait3A_91 = tpu.memref_squeeze %dma_wait3A_90 : memref<1x128xi32, #tpu.memory_space<vmem>> -> memref<128xi32, #tpu.memory_space<vmem>>
    %dma_wait3A_92 = arith.constant 0 : i32
    %dma_wait3A_93 = arith.constant 0 : i32
    %dma_wait3A_94 = tpu.memref_slice %arg4[%dma_wait3A_92, %dma_wait3A_93] : memref<1000000x128xf32, #tpu.memory_space<hbm>> -> memref<1000000x128xf32, #tpu.memory_space<hbm>>
    tpu.wait_indirect_dma semaphore(%arg11 : memref<!tpu.dma_semaphore, #tpu.memory_space<semaphore_mem>>) src(%dma_wait3A_94 : memref<1000000x128xf32, #tpu.memory_space<hbm>>) dst(%dma_wait3A_88 : memref<128x128xf32, #tpu.memory_space<vmem>>)
    %add3A_95 = arith.constant 256 : i32
    %add3A_96 = arith.addi %mul3A_2, %add3A_95 : i32
    %dma_start3A_97 = arith.constant 256 : i32
    %dma_start3A_98 = arith.constant 0 : i32
    %dma_start3A_99 = tpu.memref_slice %arg10[%dma_start3A_97, %dma_start3A_98] : memref<512x128xf32, #tpu.memory_space<vmem>> -> memref<128x128xf32, #tpu.memory_space<vmem>>
    %dma_start3A_100 = arith.constant 0 : i32
    %dma_start3A_101 = tpu.memref_slice %arg6[%add3A_96, %dma_start3A_100] : memref<16384x128xf32, #tpu.memory_space<hbm>> -> memref<128x128xf32, #tpu.memory_space<hbm>>
    %dma_start3A_102 = arith.constant 0 : i32
    %dma_start3A_103 = tpu.memref_slice %arg6[%add3A_96, %dma_start3A_102] : memref<16384x128xf32, #tpu.memory_space<hbm>> -> memref<128x128xf32, #tpu.memory_space<hbm>>
    %dma_start3A_104 = arith.constant 256 : i32
    %dma_start3A_105 = arith.constant 0 : i32
    %dma_start3A_106 = tpu.memref_slice %arg10[%dma_start3A_104, %dma_start3A_105] : memref<512x128xf32, #tpu.memory_space<vmem>> -> memref<128x128xf32, #tpu.memory_space<vmem>>
    tpu.enqueue_dma source(%dma_start3A_106 : memref<128x128xf32, #tpu.memory_space<vmem>>) target(%dma_start3A_103 : memref<128x128xf32, #tpu.memory_space<hbm>>) target_semaphore(%arg12 : memref<!tpu.dma_semaphore, #tpu.memory_space<semaphore_mem>>)
    %dma_wait3A_107 = arith.constant 3 : i32
    %dma_wait3A_108 = arith.constant 384 : i32
    %dma_wait3A_109 = arith.constant 0 : i32
    %dma_wait3A_110 = tpu.memref_slice %arg10[%dma_wait3A_108, %dma_wait3A_109] : memref<512x128xf32, #tpu.memory_space<vmem>> -> memref<128x128xf32, #tpu.memory_space<vmem>>
    %dma_wait3A_111 = arith.constant 0 : i32
    %dma_wait3A_112 = tpu.memref_slice %arg8[%dma_wait3A_107, %dma_wait3A_111] : memref<4x128xi32, #tpu.memory_space<vmem>> -> memref<1x128xi32, #tpu.memory_space<vmem>>
    %dma_wait3A_113 = tpu.memref_squeeze %dma_wait3A_112 : memref<1x128xi32, #tpu.memory_space<vmem>> -> memref<128xi32, #tpu.memory_space<vmem>>
    %dma_wait3A_114 = arith.constant 0 : i32
    %dma_wait3A_115 = arith.constant 0 : i32
    %dma_wait3A_116 = tpu.memref_slice %arg4[%dma_wait3A_114, %dma_wait3A_115] : memref<1000000x128xf32, #tpu.memory_space<hbm>> -> memref<1000000x128xf32, #tpu.memory_space<hbm>>
    tpu.wait_indirect_dma semaphore(%arg11 : memref<!tpu.dma_semaphore, #tpu.memory_space<semaphore_mem>>) src(%dma_wait3A_116 : memref<1000000x128xf32, #tpu.memory_space<hbm>>) dst(%dma_wait3A_110 : memref<128x128xf32, #tpu.memory_space<vmem>>)
    %add3A_117 = arith.constant 384 : i32
    %add3A_118 = arith.addi %mul3A_2, %add3A_117 : i32
    %dma_start3A_119 = arith.constant 384 : i32
    %dma_start3A_120 = arith.constant 0 : i32
    %dma_start3A_121 = tpu.memref_slice %arg10[%dma_start3A_119, %dma_start3A_120] : memref<512x128xf32, #tpu.memory_space<vmem>> -> memref<128x128xf32, #tpu.memory_space<vmem>>
    %dma_start3A_122 = arith.constant 0 : i32
    %dma_start3A_123 = tpu.memref_slice %arg6[%add3A_118, %dma_start3A_122] : memref<16384x128xf32, #tpu.memory_space<hbm>> -> memref<128x128xf32, #tpu.memory_space<hbm>>
    %dma_start3A_124 = arith.constant 0 : i32
    %dma_start3A_125 = tpu.memref_slice %arg6[%add3A_118, %dma_start3A_124] : memref<16384x128xf32, #tpu.memory_space<hbm>> -> memref<128x128xf32, #tpu.memory_space<hbm>>
    %dma_start3A_126 = arith.constant 384 : i32
    %dma_start3A_127 = arith.constant 0 : i32
    %dma_start3A_128 = tpu.memref_slice %arg10[%dma_start3A_126, %dma_start3A_127] : memref<512x128xf32, #tpu.memory_space<vmem>> -> memref<128x128xf32, #tpu.memory_space<vmem>>
    tpu.enqueue_dma source(%dma_start3A_128 : memref<128x128xf32, #tpu.memory_space<vmem>>) target(%dma_start3A_125 : memref<128x128xf32, #tpu.memory_space<hbm>>) target_semaphore(%arg12 : memref<!tpu.dma_semaphore, #tpu.memory_space<semaphore_mem>>)
    %dma_wait3A_129 = arith.constant 0 : i32
    %dma_wait3A_130 = arith.constant 0 : i32
    %dma_wait3A_131 = tpu.memref_slice %arg10[%dma_wait3A_129, %dma_wait3A_130] : memref<512x128xf32, #tpu.memory_space<vmem>> -> memref<128x128xf32, #tpu.memory_space<vmem>>
    %dma_wait3A_132 = arith.constant 0 : i32
    %dma_wait3A_133 = tpu.memref_slice %arg6[%add3A_52, %dma_wait3A_132] : memref<16384x128xf32, #tpu.memory_space<hbm>> -> memref<128x128xf32, #tpu.memory_space<hbm>>
    %dma_wait3A_134 = arith.constant 0 : i32
    %dma_wait3A_135 = tpu.memref_slice %arg6[%add3A_52, %dma_wait3A_134] : memref<16384x128xf32, #tpu.memory_space<hbm>> -> memref<128x128xf32, #tpu.memory_space<hbm>>
    %dma_wait3A_136 = arith.constant 0 : i32
    %dma_wait3A_137 = arith.constant 0 : i32
    %dma_wait3A_138 = tpu.memref_slice %arg10[%dma_wait3A_136, %dma_wait3A_137] : memref<512x128xf32, #tpu.memory_space<vmem>> -> memref<128x128xf32, #tpu.memory_space<vmem>>
    tpu.wait_dma2 semaphore(%arg12 : memref<!tpu.dma_semaphore, #tpu.memory_space<semaphore_mem>>) src(%dma_wait3A_138 : memref<128x128xf32, #tpu.memory_space<vmem>>) dst(%dma_wait3A_135 : memref<128x128xf32, #tpu.memory_space<hbm>>)
    %dma_start3A_139 = arith.constant 0 : i32
    %dma_start3A_140 = arith.constant 0 : i32
    %dma_start3A_141 = arith.constant 0 : i32
    %dma_start3A_142 = tpu.memref_slice %arg10[%dma_start3A_140, %dma_start3A_141] : memref<512x128xf32, #tpu.memory_space<vmem>> -> memref<128x128xf32, #tpu.memory_space<vmem>>
    %dma_start3A_143 = arith.constant 0 : i32
    %dma_start3A_144 = tpu.memref_slice %arg9[%dma_start3A_139, %dma_start3A_143] : memref<4x128xi32, #tpu.memory_space<vmem>> -> memref<1x128xi32, #tpu.memory_space<vmem>>
    %dma_start3A_145 = tpu.memref_squeeze %dma_start3A_144 : memref<1x128xi32, #tpu.memory_space<vmem>> -> memref<128xi32, #tpu.memory_space<vmem>>
    %dma_start3A_146 = arith.constant 0 : i32
    %dma_start3A_147 = arith.constant 0 : i32
    %dma_start3A_148 = tpu.memref_slice %arg5[%dma_start3A_146, %dma_start3A_147] : memref<100000x128xf32, #tpu.memory_space<hbm>> -> memref<100000x128xf32, #tpu.memory_space<hbm>>
    tpu.enqueue_indirect_dma source(%dma_start3A_148 : memref<100000x128xf32, #tpu.memory_space<hbm>>) target(%dma_start3A_142 : memref<128x128xf32, #tpu.memory_space<vmem>>) offsets(%dma_start3A_145 : memref<128xi32, #tpu.memory_space<vmem>>) semaphore(%arg11 : memref<!tpu.dma_semaphore, #tpu.memory_space<semaphore_mem>>)
    %dma_wait3A_149 = arith.constant 128 : i32
    %dma_wait3A_150 = arith.constant 0 : i32
    %dma_wait3A_151 = tpu.memref_slice %arg10[%dma_wait3A_149, %dma_wait3A_150] : memref<512x128xf32, #tpu.memory_space<vmem>> -> memref<128x128xf32, #tpu.memory_space<vmem>>
    %dma_wait3A_152 = arith.constant 0 : i32
    %dma_wait3A_153 = tpu.memref_slice %arg6[%add3A_74, %dma_wait3A_152] : memref<16384x128xf32, #tpu.memory_space<hbm>> -> memref<128x128xf32, #tpu.memory_space<hbm>>
    %dma_wait3A_154 = arith.constant 0 : i32
    %dma_wait3A_155 = tpu.memref_slice %arg6[%add3A_74, %dma_wait3A_154] : memref<16384x128xf32, #tpu.memory_space<hbm>> -> memref<128x128xf32, #tpu.memory_space<hbm>>
    %dma_wait3A_156 = arith.constant 128 : i32
    %dma_wait3A_157 = arith.constant 0 : i32
    %dma_wait3A_158 = tpu.memref_slice %arg10[%dma_wait3A_156, %dma_wait3A_157] : memref<512x128xf32, #tpu.memory_space<vmem>> -> memref<128x128xf32, #tpu.memory_space<vmem>>
    tpu.wait_dma2 semaphore(%arg12 : memref<!tpu.dma_semaphore, #tpu.memory_space<semaphore_mem>>) src(%dma_wait3A_158 : memref<128x128xf32, #tpu.memory_space<vmem>>) dst(%dma_wait3A_155 : memref<128x128xf32, #tpu.memory_space<hbm>>)
    %dma_start3A_159 = arith.constant 1 : i32
    %dma_start3A_160 = arith.constant 128 : i32
    %dma_start3A_161 = arith.constant 0 : i32
    %dma_start3A_162 = tpu.memref_slice %arg10[%dma_start3A_160, %dma_start3A_161] : memref<512x128xf32, #tpu.memory_space<vmem>> -> memref<128x128xf32, #tpu.memory_space<vmem>>
    %dma_start3A_163 = arith.constant 0 : i32
    %dma_start3A_164 = tpu.memref_slice %arg9[%dma_start3A_159, %dma_start3A_163] : memref<4x128xi32, #tpu.memory_space<vmem>> -> memref<1x128xi32, #tpu.memory_space<vmem>>
    %dma_start3A_165 = tpu.memref_squeeze %dma_start3A_164 : memref<1x128xi32, #tpu.memory_space<vmem>> -> memref<128xi32, #tpu.memory_space<vmem>>
    %dma_start3A_166 = arith.constant 0 : i32
    %dma_start3A_167 = arith.constant 0 : i32
    %dma_start3A_168 = tpu.memref_slice %arg5[%dma_start3A_166, %dma_start3A_167] : memref<100000x128xf32, #tpu.memory_space<hbm>> -> memref<100000x128xf32, #tpu.memory_space<hbm>>
    tpu.enqueue_indirect_dma source(%dma_start3A_168 : memref<100000x128xf32, #tpu.memory_space<hbm>>) target(%dma_start3A_162 : memref<128x128xf32, #tpu.memory_space<vmem>>) offsets(%dma_start3A_165 : memref<128xi32, #tpu.memory_space<vmem>>) semaphore(%arg11 : memref<!tpu.dma_semaphore, #tpu.memory_space<semaphore_mem>>)
    %dma_wait3A_169 = arith.constant 256 : i32
    %dma_wait3A_170 = arith.constant 0 : i32
    %dma_wait3A_171 = tpu.memref_slice %arg10[%dma_wait3A_169, %dma_wait3A_170] : memref<512x128xf32, #tpu.memory_space<vmem>> -> memref<128x128xf32, #tpu.memory_space<vmem>>
    %dma_wait3A_172 = arith.constant 0 : i32
    %dma_wait3A_173 = tpu.memref_slice %arg6[%add3A_96, %dma_wait3A_172] : memref<16384x128xf32, #tpu.memory_space<hbm>> -> memref<128x128xf32, #tpu.memory_space<hbm>>
    %dma_wait3A_174 = arith.constant 0 : i32
    %dma_wait3A_175 = tpu.memref_slice %arg6[%add3A_96, %dma_wait3A_174] : memref<16384x128xf32, #tpu.memory_space<hbm>> -> memref<128x128xf32, #tpu.memory_space<hbm>>
    %dma_wait3A_176 = arith.constant 256 : i32
    %dma_wait3A_177 = arith.constant 0 : i32
    %dma_wait3A_178 = tpu.memref_slice %arg10[%dma_wait3A_176, %dma_wait3A_177] : memref<512x128xf32, #tpu.memory_space<vmem>> -> memref<128x128xf32, #tpu.memory_space<vmem>>
    tpu.wait_dma2 semaphore(%arg12 : memref<!tpu.dma_semaphore, #tpu.memory_space<semaphore_mem>>) src(%dma_wait3A_178 : memref<128x128xf32, #tpu.memory_space<vmem>>) dst(%dma_wait3A_175 : memref<128x128xf32, #tpu.memory_space<hbm>>)
    %dma_start3A_179 = arith.constant 2 : i32
    %dma_start3A_180 = arith.constant 256 : i32
    %dma_start3A_181 = arith.constant 0 : i32
    %dma_start3A_182 = tpu.memref_slice %arg10[%dma_start3A_180, %dma_start3A_181] : memref<512x128xf32, #tpu.memory_space<vmem>> -> memref<128x128xf32, #tpu.memory_space<vmem>>
    %dma_start3A_183 = arith.constant 0 : i32
    %dma_start3A_184 = tpu.memref_slice %arg9[%dma_start3A_179, %dma_start3A_183] : memref<4x128xi32, #tpu.memory_space<vmem>> -> memref<1x128xi32, #tpu.memory_space<vmem>>
    %dma_start3A_185 = tpu.memref_squeeze %dma_start3A_184 : memref<1x128xi32, #tpu.memory_space<vmem>> -> memref<128xi32, #tpu.memory_space<vmem>>
    %dma_start3A_186 = arith.constant 0 : i32
    %dma_start3A_187 = arith.constant 0 : i32
    %dma_start3A_188 = tpu.memref_slice %arg5[%dma_start3A_186, %dma_start3A_187] : memref<100000x128xf32, #tpu.memory_space<hbm>> -> memref<100000x128xf32, #tpu.memory_space<hbm>>
    tpu.enqueue_indirect_dma source(%dma_start3A_188 : memref<100000x128xf32, #tpu.memory_space<hbm>>) target(%dma_start3A_182 : memref<128x128xf32, #tpu.memory_space<vmem>>) offsets(%dma_start3A_185 : memref<128xi32, #tpu.memory_space<vmem>>) semaphore(%arg11 : memref<!tpu.dma_semaphore, #tpu.memory_space<semaphore_mem>>)
    %dma_wait3A_189 = arith.constant 384 : i32
    %dma_wait3A_190 = arith.constant 0 : i32
    %dma_wait3A_191 = tpu.memref_slice %arg10[%dma_wait3A_189, %dma_wait3A_190] : memref<512x128xf32, #tpu.memory_space<vmem>> -> memref<128x128xf32, #tpu.memory_space<vmem>>
    %dma_wait3A_192 = arith.constant 0 : i32
    %dma_wait3A_193 = tpu.memref_slice %arg6[%add3A_118, %dma_wait3A_192] : memref<16384x128xf32, #tpu.memory_space<hbm>> -> memref<128x128xf32, #tpu.memory_space<hbm>>
    %dma_wait3A_194 = arith.constant 0 : i32
    %dma_wait3A_195 = tpu.memref_slice %arg6[%add3A_118, %dma_wait3A_194] : memref<16384x128xf32, #tpu.memory_space<hbm>> -> memref<128x128xf32, #tpu.memory_space<hbm>>
    %dma_wait3A_196 = arith.constant 384 : i32
    %dma_wait3A_197 = arith.constant 0 : i32
    %dma_wait3A_198 = tpu.memref_slice %arg10[%dma_wait3A_196, %dma_wait3A_197] : memref<512x128xf32, #tpu.memory_space<vmem>> -> memref<128x128xf32, #tpu.memory_space<vmem>>
    tpu.wait_dma2 semaphore(%arg12 : memref<!tpu.dma_semaphore, #tpu.memory_space<semaphore_mem>>) src(%dma_wait3A_198 : memref<128x128xf32, #tpu.memory_space<vmem>>) dst(%dma_wait3A_195 : memref<128x128xf32, #tpu.memory_space<hbm>>)
    %dma_start3A_199 = arith.constant 3 : i32
    %dma_start3A_200 = arith.constant 384 : i32
    %dma_start3A_201 = arith.constant 0 : i32
    %dma_start3A_202 = tpu.memref_slice %arg10[%dma_start3A_200, %dma_start3A_201] : memref<512x128xf32, #tpu.memory_space<vmem>> -> memref<128x128xf32, #tpu.memory_space<vmem>>
    %dma_start3A_203 = arith.constant 0 : i32
    %dma_start3A_204 = tpu.memref_slice %arg9[%dma_start3A_199, %dma_start3A_203] : memref<4x128xi32, #tpu.memory_space<vmem>> -> memref<1x128xi32, #tpu.memory_space<vmem>>
    %dma_start3A_205 = tpu.memref_squeeze %dma_start3A_204 : memref<1x128xi32, #tpu.memory_space<vmem>> -> memref<128xi32, #tpu.memory_space<vmem>>
    %dma_start3A_206 = arith.constant 0 : i32
    %dma_start3A_207 = arith.constant 0 : i32
    %dma_start3A_208 = tpu.memref_slice %arg5[%dma_start3A_206, %dma_start3A_207] : memref<100000x128xf32, #tpu.memory_space<hbm>> -> memref<100000x128xf32, #tpu.memory_space<hbm>>
    tpu.enqueue_indirect_dma source(%dma_start3A_208 : memref<100000x128xf32, #tpu.memory_space<hbm>>) target(%dma_start3A_202 : memref<128x128xf32, #tpu.memory_space<vmem>>) offsets(%dma_start3A_205 : memref<128xi32, #tpu.memory_space<vmem>>) semaphore(%arg11 : memref<!tpu.dma_semaphore, #tpu.memory_space<semaphore_mem>>)
    %dma_wait3A_209 = arith.constant 0 : i32
    %dma_wait3A_210 = arith.constant 0 : i32
    %dma_wait3A_211 = arith.constant 0 : i32
    %dma_wait3A_212 = tpu.memref_slice %arg10[%dma_wait3A_210, %dma_wait3A_211] : memref<512x128xf32, #tpu.memory_space<vmem>> -> memref<128x128xf32, #tpu.memory_space<vmem>>
    %dma_wait3A_213 = arith.constant 0 : i32
    %dma_wait3A_214 = tpu.memref_slice %arg9[%dma_wait3A_209, %dma_wait3A_213] : memref<4x128xi32, #tpu.memory_space<vmem>> -> memref<1x128xi32, #tpu.memory_space<vmem>>
    %dma_wait3A_215 = tpu.memref_squeeze %dma_wait3A_214 : memref<1x128xi32, #tpu.memory_space<vmem>> -> memref<128xi32, #tpu.memory_space<vmem>>
    %dma_wait3A_216 = arith.constant 0 : i32
    %dma_wait3A_217 = arith.constant 0 : i32
    %dma_wait3A_218 = tpu.memref_slice %arg5[%dma_wait3A_216, %dma_wait3A_217] : memref<100000x128xf32, #tpu.memory_space<hbm>> -> memref<100000x128xf32, #tpu.memory_space<hbm>>
    tpu.wait_indirect_dma semaphore(%arg11 : memref<!tpu.dma_semaphore, #tpu.memory_space<semaphore_mem>>) src(%dma_wait3A_218 : memref<100000x128xf32, #tpu.memory_space<hbm>>) dst(%dma_wait3A_212 : memref<128x128xf32, #tpu.memory_space<vmem>>)
    %add3A_219 = arith.constant 0 : i32
    %add3A_220 = arith.addi %mul3A_2, %add3A_219 : i32
    %dma_start3A_221 = arith.constant 0 : i32
    %dma_start3A_222 = arith.constant 0 : i32
    %dma_start3A_223 = tpu.memref_slice %arg10[%dma_start3A_221, %dma_start3A_222] : memref<512x128xf32, #tpu.memory_space<vmem>> -> memref<128x128xf32, #tpu.memory_space<vmem>>
    %dma_start3A_224 = arith.constant 0 : i32
    %dma_start3A_225 = tpu.memref_slice %arg7[%add3A_220, %dma_start3A_224] : memref<16384x128xf32, #tpu.memory_space<hbm>> -> memref<128x128xf32, #tpu.memory_space<hbm>>
    %dma_start3A_226 = arith.constant 0 : i32
    %dma_start3A_227 = tpu.memref_slice %arg7[%add3A_220, %dma_start3A_226] : memref<16384x128xf32, #tpu.memory_space<hbm>> -> memref<128x128xf32, #tpu.memory_space<hbm>>
    %dma_start3A_228 = arith.constant 0 : i32
    %dma_start3A_229 = arith.constant 0 : i32
    %dma_start3A_230 = tpu.memref_slice %arg10[%dma_start3A_228, %dma_start3A_229] : memref<512x128xf32, #tpu.memory_space<vmem>> -> memref<128x128xf32, #tpu.memory_space<vmem>>
    tpu.enqueue_dma source(%dma_start3A_230 : memref<128x128xf32, #tpu.memory_space<vmem>>) target(%dma_start3A_227 : memref<128x128xf32, #tpu.memory_space<hbm>>) target_semaphore(%arg12 : memref<!tpu.dma_semaphore, #tpu.memory_space<semaphore_mem>>)
    %dma_wait3A_231 = arith.constant 1 : i32
    %dma_wait3A_232 = arith.constant 128 : i32
    %dma_wait3A_233 = arith.constant 0 : i32
    %dma_wait3A_234 = tpu.memref_slice %arg10[%dma_wait3A_232, %dma_wait3A_233] : memref<512x128xf32, #tpu.memory_space<vmem>> -> memref<128x128xf32, #tpu.memory_space<vmem>>
    %dma_wait3A_235 = arith.constant 0 : i32
    %dma_wait3A_236 = tpu.memref_slice %arg9[%dma_wait3A_231, %dma_wait3A_235] : memref<4x128xi32, #tpu.memory_space<vmem>> -> memref<1x128xi32, #tpu.memory_space<vmem>>
    %dma_wait3A_237 = tpu.memref_squeeze %dma_wait3A_236 : memref<1x128xi32, #tpu.memory_space<vmem>> -> memref<128xi32, #tpu.memory_space<vmem>>
    %dma_wait3A_238 = arith.constant 0 : i32
    %dma_wait3A_239 = arith.constant 0 : i32
    %dma_wait3A_240 = tpu.memref_slice %arg5[%dma_wait3A_238, %dma_wait3A_239] : memref<100000x128xf32, #tpu.memory_space<hbm>> -> memref<100000x128xf32, #tpu.memory_space<hbm>>
    tpu.wait_indirect_dma semaphore(%arg11 : memref<!tpu.dma_semaphore, #tpu.memory_space<semaphore_mem>>) src(%dma_wait3A_240 : memref<100000x128xf32, #tpu.memory_space<hbm>>) dst(%dma_wait3A_234 : memref<128x128xf32, #tpu.memory_space<vmem>>)
    %add3A_241 = arith.constant 128 : i32
    %add3A_242 = arith.addi %mul3A_2, %add3A_241 : i32
    %dma_start3A_243 = arith.constant 128 : i32
    %dma_start3A_244 = arith.constant 0 : i32
    %dma_start3A_245 = tpu.memref_slice %arg10[%dma_start3A_243, %dma_start3A_244] : memref<512x128xf32, #tpu.memory_space<vmem>> -> memref<128x128xf32, #tpu.memory_space<vmem>>
    %dma_start3A_246 = arith.constant 0 : i32
    %dma_start3A_247 = tpu.memref_slice %arg7[%add3A_242, %dma_start3A_246] : memref<16384x128xf32, #tpu.memory_space<hbm>> -> memref<128x128xf32, #tpu.memory_space<hbm>>
    %dma_start3A_248 = arith.constant 0 : i32
    %dma_start3A_249 = tpu.memref_slice %arg7[%add3A_242, %dma_start3A_248] : memref<16384x128xf32, #tpu.memory_space<hbm>> -> memref<128x128xf32, #tpu.memory_space<hbm>>
    %dma_start3A_250 = arith.constant 128 : i32
    %dma_start3A_251 = arith.constant 0 : i32
    %dma_start3A_252 = tpu.memref_slice %arg10[%dma_start3A_250, %dma_start3A_251] : memref<512x128xf32, #tpu.memory_space<vmem>> -> memref<128x128xf32, #tpu.memory_space<vmem>>
    tpu.enqueue_dma source(%dma_start3A_252 : memref<128x128xf32, #tpu.memory_space<vmem>>) target(%dma_start3A_249 : memref<128x128xf32, #tpu.memory_space<hbm>>) target_semaphore(%arg12 : memref<!tpu.dma_semaphore, #tpu.memory_space<semaphore_mem>>)
    %dma_wait3A_253 = arith.constant 2 : i32
    %dma_wait3A_254 = arith.constant 256 : i32
    %dma_wait3A_255 = arith.constant 0 : i32
    %dma_wait3A_256 = tpu.memref_slice %arg10[%dma_wait3A_254, %dma_wait3A_255] : memref<512x128xf32, #tpu.memory_space<vmem>> -> memref<128x128xf32, #tpu.memory_space<vmem>>
    %dma_wait3A_257 = arith.constant 0 : i32
    %dma_wait3A_258 = tpu.memref_slice %arg9[%dma_wait3A_253, %dma_wait3A_257] : memref<4x128xi32, #tpu.memory_space<vmem>> -> memref<1x128xi32, #tpu.memory_space<vmem>>
    %dma_wait3A_259 = tpu.memref_squeeze %dma_wait3A_258 : memref<1x128xi32, #tpu.memory_space<vmem>> -> memref<128xi32, #tpu.memory_space<vmem>>
    %dma_wait3A_260 = arith.constant 0 : i32
    %dma_wait3A_261 = arith.constant 0 : i32
    %dma_wait3A_262 = tpu.memref_slice %arg5[%dma_wait3A_260, %dma_wait3A_261] : memref<100000x128xf32, #tpu.memory_space<hbm>> -> memref<100000x128xf32, #tpu.memory_space<hbm>>
    tpu.wait_indirect_dma semaphore(%arg11 : memref<!tpu.dma_semaphore, #tpu.memory_space<semaphore_mem>>) src(%dma_wait3A_262 : memref<100000x128xf32, #tpu.memory_space<hbm>>) dst(%dma_wait3A_256 : memref<128x128xf32, #tpu.memory_space<vmem>>)
    %add3A_263 = arith.constant 256 : i32
    %add3A_264 = arith.addi %mul3A_2, %add3A_263 : i32
    %dma_start3A_265 = arith.constant 256 : i32
    %dma_start3A_266 = arith.constant 0 : i32
    %dma_start3A_267 = tpu.memref_slice %arg10[%dma_start3A_265, %dma_start3A_266] : memref<512x128xf32, #tpu.memory_space<vmem>> -> memref<128x128xf32, #tpu.memory_space<vmem>>
    %dma_start3A_268 = arith.constant 0 : i32
    %dma_start3A_269 = tpu.memref_slice %arg7[%add3A_264, %dma_start3A_268] : memref<16384x128xf32, #tpu.memory_space<hbm>> -> memref<128x128xf32, #tpu.memory_space<hbm>>
    %dma_start3A_270 = arith.constant 0 : i32
    %dma_start3A_271 = tpu.memref_slice %arg7[%add3A_264, %dma_start3A_270] : memref<16384x128xf32, #tpu.memory_space<hbm>> -> memref<128x128xf32, #tpu.memory_space<hbm>>
    %dma_start3A_272 = arith.constant 256 : i32
    %dma_start3A_273 = arith.constant 0 : i32
    %dma_start3A_274 = tpu.memref_slice %arg10[%dma_start3A_272, %dma_start3A_273] : memref<512x128xf32, #tpu.memory_space<vmem>> -> memref<128x128xf32, #tpu.memory_space<vmem>>
    tpu.enqueue_dma source(%dma_start3A_274 : memref<128x128xf32, #tpu.memory_space<vmem>>) target(%dma_start3A_271 : memref<128x128xf32, #tpu.memory_space<hbm>>) target_semaphore(%arg12 : memref<!tpu.dma_semaphore, #tpu.memory_space<semaphore_mem>>)
    %dma_wait3A_275 = arith.constant 3 : i32
    %dma_wait3A_276 = arith.constant 384 : i32
    %dma_wait3A_277 = arith.constant 0 : i32
    %dma_wait3A_278 = tpu.memref_slice %arg10[%dma_wait3A_276, %dma_wait3A_277] : memref<512x128xf32, #tpu.memory_space<vmem>> -> memref<128x128xf32, #tpu.memory_space<vmem>>
    %dma_wait3A_279 = arith.constant 0 : i32
    %dma_wait3A_280 = tpu.memref_slice %arg9[%dma_wait3A_275, %dma_wait3A_279] : memref<4x128xi32, #tpu.memory_space<vmem>> -> memref<1x128xi32, #tpu.memory_space<vmem>>
    %dma_wait3A_281 = tpu.memref_squeeze %dma_wait3A_280 : memref<1x128xi32, #tpu.memory_space<vmem>> -> memref<128xi32, #tpu.memory_space<vmem>>
    %dma_wait3A_282 = arith.constant 0 : i32
    %dma_wait3A_283 = arith.constant 0 : i32
    %dma_wait3A_284 = tpu.memref_slice %arg5[%dma_wait3A_282, %dma_wait3A_283] : memref<100000x128xf32, #tpu.memory_space<hbm>> -> memref<100000x128xf32, #tpu.memory_space<hbm>>
    tpu.wait_indirect_dma semaphore(%arg11 : memref<!tpu.dma_semaphore, #tpu.memory_space<semaphore_mem>>) src(%dma_wait3A_284 : memref<100000x128xf32, #tpu.memory_space<hbm>>) dst(%dma_wait3A_278 : memref<128x128xf32, #tpu.memory_space<vmem>>)
    %add3A_285 = arith.constant 384 : i32
    %add3A_286 = arith.addi %mul3A_2, %add3A_285 : i32
    %dma_start3A_287 = arith.constant 384 : i32
    %dma_start3A_288 = arith.constant 0 : i32
    %dma_start3A_289 = tpu.memref_slice %arg10[%dma_start3A_287, %dma_start3A_288] : memref<512x128xf32, #tpu.memory_space<vmem>> -> memref<128x128xf32, #tpu.memory_space<vmem>>
    %dma_start3A_290 = arith.constant 0 : i32
    %dma_start3A_291 = tpu.memref_slice %arg7[%add3A_286, %dma_start3A_290] : memref<16384x128xf32, #tpu.memory_space<hbm>> -> memref<128x128xf32, #tpu.memory_space<hbm>>
    %dma_start3A_292 = arith.constant 0 : i32
    %dma_start3A_293 = tpu.memref_slice %arg7[%add3A_286, %dma_start3A_292] : memref<16384x128xf32, #tpu.memory_space<hbm>> -> memref<128x128xf32, #tpu.memory_space<hbm>>
    %dma_start3A_294 = arith.constant 384 : i32
    %dma_start3A_295 = arith.constant 0 : i32
    %dma_start3A_296 = tpu.memref_slice %arg10[%dma_start3A_294, %dma_start3A_295] : memref<512x128xf32, #tpu.memory_space<vmem>> -> memref<128x128xf32, #tpu.memory_space<vmem>>
    tpu.enqueue_dma source(%dma_start3A_296 : memref<128x128xf32, #tpu.memory_space<vmem>>) target(%dma_start3A_293 : memref<128x128xf32, #tpu.memory_space<hbm>>) target_semaphore(%arg12 : memref<!tpu.dma_semaphore, #tpu.memory_space<semaphore_mem>>)
    %dma_wait3A_297 = arith.constant 0 : i32
    %dma_wait3A_298 = arith.constant 0 : i32
    %dma_wait3A_299 = tpu.memref_slice %arg10[%dma_wait3A_297, %dma_wait3A_298] : memref<512x128xf32, #tpu.memory_space<vmem>> -> memref<128x128xf32, #tpu.memory_space<vmem>>
    %dma_wait3A_300 = arith.constant 0 : i32
    %dma_wait3A_301 = tpu.memref_slice %arg7[%add3A_220, %dma_wait3A_300] : memref<16384x128xf32, #tpu.memory_space<hbm>> -> memref<128x128xf32, #tpu.memory_space<hbm>>
    %dma_wait3A_302 = arith.constant 0 : i32
    %dma_wait3A_303 = tpu.memref_slice %arg7[%add3A_220, %dma_wait3A_302] : memref<16384x128xf32, #tpu.memory_space<hbm>> -> memref<128x128xf32, #tpu.memory_space<hbm>>
    %dma_wait3A_304 = arith.constant 0 : i32
    %dma_wait3A_305 = arith.constant 0 : i32
    %dma_wait3A_306 = tpu.memref_slice %arg10[%dma_wait3A_304, %dma_wait3A_305] : memref<512x128xf32, #tpu.memory_space<vmem>> -> memref<128x128xf32, #tpu.memory_space<vmem>>
    tpu.wait_dma2 semaphore(%arg12 : memref<!tpu.dma_semaphore, #tpu.memory_space<semaphore_mem>>) src(%dma_wait3A_306 : memref<128x128xf32, #tpu.memory_space<vmem>>) dst(%dma_wait3A_303 : memref<128x128xf32, #tpu.memory_space<hbm>>)
    %dma_wait3A_307 = arith.constant 128 : i32
    %dma_wait3A_308 = arith.constant 0 : i32
    %dma_wait3A_309 = tpu.memref_slice %arg10[%dma_wait3A_307, %dma_wait3A_308] : memref<512x128xf32, #tpu.memory_space<vmem>> -> memref<128x128xf32, #tpu.memory_space<vmem>>
    %dma_wait3A_310 = arith.constant 0 : i32
    %dma_wait3A_311 = tpu.memref_slice %arg7[%add3A_242, %dma_wait3A_310] : memref<16384x128xf32, #tpu.memory_space<hbm>> -> memref<128x128xf32, #tpu.memory_space<hbm>>
    %dma_wait3A_312 = arith.constant 0 : i32
    %dma_wait3A_313 = tpu.memref_slice %arg7[%add3A_242, %dma_wait3A_312] : memref<16384x128xf32, #tpu.memory_space<hbm>> -> memref<128x128xf32, #tpu.memory_space<hbm>>
    %dma_wait3A_314 = arith.constant 128 : i32
    %dma_wait3A_315 = arith.constant 0 : i32
    %dma_wait3A_316 = tpu.memref_slice %arg10[%dma_wait3A_314, %dma_wait3A_315] : memref<512x128xf32, #tpu.memory_space<vmem>> -> memref<128x128xf32, #tpu.memory_space<vmem>>
    tpu.wait_dma2 semaphore(%arg12 : memref<!tpu.dma_semaphore, #tpu.memory_space<semaphore_mem>>) src(%dma_wait3A_316 : memref<128x128xf32, #tpu.memory_space<vmem>>) dst(%dma_wait3A_313 : memref<128x128xf32, #tpu.memory_space<hbm>>)
    %dma_wait3A_317 = arith.constant 256 : i32
    %dma_wait3A_318 = arith.constant 0 : i32
    %dma_wait3A_319 = tpu.memref_slice %arg10[%dma_wait3A_317, %dma_wait3A_318] : memref<512x128xf32, #tpu.memory_space<vmem>> -> memref<128x128xf32, #tpu.memory_space<vmem>>
    %dma_wait3A_320 = arith.constant 0 : i32
    %dma_wait3A_321 = tpu.memref_slice %arg7[%add3A_264, %dma_wait3A_320] : memref<16384x128xf32, #tpu.memory_space<hbm>> -> memref<128x128xf32, #tpu.memory_space<hbm>>
    %dma_wait3A_322 = arith.constant 0 : i32
    %dma_wait3A_323 = tpu.memref_slice %arg7[%add3A_264, %dma_wait3A_322] : memref<16384x128xf32, #tpu.memory_space<hbm>> -> memref<128x128xf32, #tpu.memory_space<hbm>>
    %dma_wait3A_324 = arith.constant 256 : i32
    %dma_wait3A_325 = arith.constant 0 : i32
    %dma_wait3A_326 = tpu.memref_slice %arg10[%dma_wait3A_324, %dma_wait3A_325] : memref<512x128xf32, #tpu.memory_space<vmem>> -> memref<128x128xf32, #tpu.memory_space<vmem>>
    tpu.wait_dma2 semaphore(%arg12 : memref<!tpu.dma_semaphore, #tpu.memory_space<semaphore_mem>>) src(%dma_wait3A_326 : memref<128x128xf32, #tpu.memory_space<vmem>>) dst(%dma_wait3A_323 : memref<128x128xf32, #tpu.memory_space<hbm>>)
    %dma_wait3A_327 = arith.constant 384 : i32
    %dma_wait3A_328 = arith.constant 0 : i32
    %dma_wait3A_329 = tpu.memref_slice %arg10[%dma_wait3A_327, %dma_wait3A_328] : memref<512x128xf32, #tpu.memory_space<vmem>> -> memref<128x128xf32, #tpu.memory_space<vmem>>
    %dma_wait3A_330 = arith.constant 0 : i32
    %dma_wait3A_331 = tpu.memref_slice %arg7[%add3A_286, %dma_wait3A_330] : memref<16384x128xf32, #tpu.memory_space<hbm>> -> memref<128x128xf32, #tpu.memory_space<hbm>>
    %dma_wait3A_332 = arith.constant 0 : i32
    %dma_wait3A_333 = tpu.memref_slice %arg7[%add3A_286, %dma_wait3A_332] : memref<16384x128xf32, #tpu.memory_space<hbm>> -> memref<128x128xf32, #tpu.memory_space<hbm>>
    %dma_wait3A_334 = arith.constant 384 : i32
    %dma_wait3A_335 = arith.constant 0 : i32
    %dma_wait3A_336 = tpu.memref_slice %arg10[%dma_wait3A_334, %dma_wait3A_335] : memref<512x128xf32, #tpu.memory_space<vmem>> -> memref<128x128xf32, #tpu.memory_space<vmem>>
    tpu.wait_dma2 semaphore(%arg12 : memref<!tpu.dma_semaphore, #tpu.memory_space<semaphore_mem>>) src(%dma_wait3A_336 : memref<128x128xf32, #tpu.memory_space<vmem>>) dst(%dma_wait3A_333 : memref<128x128xf32, #tpu.memory_space<hbm>>)
    return
  }
}

#map = affine_map<(d0, d1) -> (0, 0, 0)>
#map1 = affine_map<(d0, d1) -> (0, 0)>
module attributes {stable_mosaic.version = 14 : i64} {
  func.func @_sc_brand(%arg0: i32, %arg1: i32, %arg2: memref<32x4x128xi32, #tpu.memory_space<hbm>>, %arg3: memref<1000x16xf32, #tpu.memory_space<hbm>>, %arg4: memref<16384x16xf32, #tpu.memory_space<hbm>>, %arg5: memref<4x128xi32, #tpu.memory_space<vmem>>, %arg6: memref<512x16xf32, #tpu.memory_space<vmem>>, %arg7: memref<!tpu.dma_semaphore, #tpu.memory_space<semaphore_mem>>) attributes {dimension_semantics = [#tpu.dimension_semantics<core_parallel>, #tpu.dimension_semantics<subcore_parallel>], iteration_bounds = array<i64: 2, 16>, scalar_prefetch = 0 : i64, scratch_operands = 3 : i64, tpu.core_type = #tpu.core_type<sc_vector_subcore>, window_params = [{transform_indices = #map}, {transform_indices = #map1}, {transform_indices = #map1}]} {
    %mul3A = arith.constant 2 : i32
    %mul3A_0 = arith.muli %arg1, %mul3A : i32
    %add3A = arith.addi %mul3A_0, %arg0 : i32
    %mul3A_1 = arith.constant 512 : i32
    %mul3A_2 = arith.muli %add3A, %mul3A_1 : i32
    "tpu.region"() ({
      %run_scoped3A = tpu.sem_alloc : memref<!tpu.dma_semaphore, #tpu.memory_space<semaphore_mem>>
      %dma_start3A_81 = arith.constant 0 : i32
      %dma_start3A_82 = arith.constant 0 : i32
      %dma_start3A_83 = tpu.memref_slice %arg2[%add3A, %dma_start3A_81, %dma_start3A_82] : memref<32x4x128xi32, #tpu.memory_space<hbm>> -> memref<1x4x128xi32, #tpu.memory_space<hbm>>
      %dma_start3A_84 = tpu.memref_squeeze %dma_start3A_83 : memref<1x4x128xi32, #tpu.memory_space<hbm>> -> memref<4x128xi32, #tpu.memory_space<hbm>>
      %dma_start3A_85 = arith.constant 0 : i32
      %dma_start3A_86 = arith.constant 0 : i32
      %dma_start3A_87 = tpu.memref_slice %arg2[%add3A, %dma_start3A_85, %dma_start3A_86] : memref<32x4x128xi32, #tpu.memory_space<hbm>> -> memref<1x4x128xi32, #tpu.memory_space<hbm>>
      %dma_start3A_88 = tpu.memref_squeeze %dma_start3A_87 : memref<1x4x128xi32, #tpu.memory_space<hbm>> -> memref<4x128xi32, #tpu.memory_space<hbm>>
      tpu.enqueue_dma source(%dma_start3A_88 : memref<4x128xi32, #tpu.memory_space<hbm>>) target(%arg5 : memref<4x128xi32, #tpu.memory_space<vmem>>) target_semaphore(%run_scoped3A : memref<!tpu.dma_semaphore, #tpu.memory_space<semaphore_mem>>)
      %dma_wait3A_89 = arith.constant 0 : i32
      %dma_wait3A_90 = arith.constant 0 : i32
      %dma_wait3A_91 = tpu.memref_slice %arg2[%add3A, %dma_wait3A_89, %dma_wait3A_90] : memref<32x4x128xi32, #tpu.memory_space<hbm>> -> memref<1x4x128xi32, #tpu.memory_space<hbm>>
      %dma_wait3A_92 = tpu.memref_squeeze %dma_wait3A_91 : memref<1x4x128xi32, #tpu.memory_space<hbm>> -> memref<4x128xi32, #tpu.memory_space<hbm>>
      %dma_wait3A_93 = arith.constant 0 : i32
      %dma_wait3A_94 = arith.constant 0 : i32
      %dma_wait3A_95 = tpu.memref_slice %arg2[%add3A, %dma_wait3A_93, %dma_wait3A_94] : memref<32x4x128xi32, #tpu.memory_space<hbm>> -> memref<1x4x128xi32, #tpu.memory_space<hbm>>
      %dma_wait3A_96 = tpu.memref_squeeze %dma_wait3A_95 : memref<1x4x128xi32, #tpu.memory_space<hbm>> -> memref<4x128xi32, #tpu.memory_space<hbm>>
      tpu.wait_dma2 semaphore(%run_scoped3A : memref<!tpu.dma_semaphore, #tpu.memory_space<semaphore_mem>>) src(%dma_wait3A_96 : memref<4x128xi32, #tpu.memory_space<hbm>>) dst(%arg5 : memref<4x128xi32, #tpu.memory_space<vmem>>)
      tpu.yield
    }) : () -> ()
    %dma_start3A = arith.constant 0 : i32
    %dma_start3A_3 = arith.constant 0 : i32
    %dma_start3A_4 = arith.constant 0 : i32
    %dma_start3A_5 = tpu.memref_slice %arg6[%dma_start3A_3, %dma_start3A_4] : memref<512x16xf32, #tpu.memory_space<vmem>> -> memref<128x16xf32, #tpu.memory_space<vmem>>
    %dma_start3A_6 = arith.constant 0 : i32
    %dma_start3A_7 = tpu.memref_slice %arg5[%dma_start3A, %dma_start3A_6] : memref<4x128xi32, #tpu.memory_space<vmem>> -> memref<1x128xi32, #tpu.memory_space<vmem>>
    %dma_start3A_8 = tpu.memref_squeeze %dma_start3A_7 : memref<1x128xi32, #tpu.memory_space<vmem>> -> memref<128xi32, #tpu.memory_space<vmem>>
    %dma_start3A_9 = arith.constant 0 : i32
    %dma_start3A_10 = arith.constant 0 : i32
    %dma_start3A_11 = tpu.memref_slice %arg3[%dma_start3A_9, %dma_start3A_10] : memref<1000x16xf32, #tpu.memory_space<hbm>> -> memref<1000x16xf32, #tpu.memory_space<hbm>>
    tpu.enqueue_indirect_dma source(%dma_start3A_11 : memref<1000x16xf32, #tpu.memory_space<hbm>>) target(%dma_start3A_5 : memref<128x16xf32, #tpu.memory_space<vmem>>) offsets(%dma_start3A_8 : memref<128xi32, #tpu.memory_space<vmem>>) semaphore(%arg7 : memref<!tpu.dma_semaphore, #tpu.memory_space<semaphore_mem>>)
    %dma_start3A_12 = arith.constant 1 : i32
    %dma_start3A_13 = arith.constant 128 : i32
    %dma_start3A_14 = arith.constant 0 : i32
    %dma_start3A_15 = tpu.memref_slice %arg6[%dma_start3A_13, %dma_start3A_14] : memref<512x16xf32, #tpu.memory_space<vmem>> -> memref<128x16xf32, #tpu.memory_space<vmem>>
    %dma_start3A_16 = arith.constant 0 : i32
    %dma_start3A_17 = tpu.memref_slice %arg5[%dma_start3A_12, %dma_start3A_16] : memref<4x128xi32, #tpu.memory_space<vmem>> -> memref<1x128xi32, #tpu.memory_space<vmem>>
    %dma_start3A_18 = tpu.memref_squeeze %dma_start3A_17 : memref<1x128xi32, #tpu.memory_space<vmem>> -> memref<128xi32, #tpu.memory_space<vmem>>
    %dma_start3A_19 = arith.constant 0 : i32
    %dma_start3A_20 = arith.constant 0 : i32
    %dma_start3A_21 = tpu.memref_slice %arg3[%dma_start3A_19, %dma_start3A_20] : memref<1000x16xf32, #tpu.memory_space<hbm>> -> memref<1000x16xf32, #tpu.memory_space<hbm>>
    tpu.enqueue_indirect_dma source(%dma_start3A_21 : memref<1000x16xf32, #tpu.memory_space<hbm>>) target(%dma_start3A_15 : memref<128x16xf32, #tpu.memory_space<vmem>>) offsets(%dma_start3A_18 : memref<128xi32, #tpu.memory_space<vmem>>) semaphore(%arg7 : memref<!tpu.dma_semaphore, #tpu.memory_space<semaphore_mem>>)
    %dma_start3A_22 = arith.constant 2 : i32
    %dma_start3A_23 = arith.constant 256 : i32
    %dma_start3A_24 = arith.constant 0 : i32
    %dma_start3A_25 = tpu.memref_slice %arg6[%dma_start3A_23, %dma_start3A_24] : memref<512x16xf32, #tpu.memory_space<vmem>> -> memref<128x16xf32, #tpu.memory_space<vmem>>
    %dma_start3A_26 = arith.constant 0 : i32
    %dma_start3A_27 = tpu.memref_slice %arg5[%dma_start3A_22, %dma_start3A_26] : memref<4x128xi32, #tpu.memory_space<vmem>> -> memref<1x128xi32, #tpu.memory_space<vmem>>
    %dma_start3A_28 = tpu.memref_squeeze %dma_start3A_27 : memref<1x128xi32, #tpu.memory_space<vmem>> -> memref<128xi32, #tpu.memory_space<vmem>>
    %dma_start3A_29 = arith.constant 0 : i32
    %dma_start3A_30 = arith.constant 0 : i32
    %dma_start3A_31 = tpu.memref_slice %arg3[%dma_start3A_29, %dma_start3A_30] : memref<1000x16xf32, #tpu.memory_space<hbm>> -> memref<1000x16xf32, #tpu.memory_space<hbm>>
    tpu.enqueue_indirect_dma source(%dma_start3A_31 : memref<1000x16xf32, #tpu.memory_space<hbm>>) target(%dma_start3A_25 : memref<128x16xf32, #tpu.memory_space<vmem>>) offsets(%dma_start3A_28 : memref<128xi32, #tpu.memory_space<vmem>>) semaphore(%arg7 : memref<!tpu.dma_semaphore, #tpu.memory_space<semaphore_mem>>)
    %dma_start3A_32 = arith.constant 3 : i32
    %dma_start3A_33 = arith.constant 384 : i32
    %dma_start3A_34 = arith.constant 0 : i32
    %dma_start3A_35 = tpu.memref_slice %arg6[%dma_start3A_33, %dma_start3A_34] : memref<512x16xf32, #tpu.memory_space<vmem>> -> memref<128x16xf32, #tpu.memory_space<vmem>>
    %dma_start3A_36 = arith.constant 0 : i32
    %dma_start3A_37 = tpu.memref_slice %arg5[%dma_start3A_32, %dma_start3A_36] : memref<4x128xi32, #tpu.memory_space<vmem>> -> memref<1x128xi32, #tpu.memory_space<vmem>>
    %dma_start3A_38 = tpu.memref_squeeze %dma_start3A_37 : memref<1x128xi32, #tpu.memory_space<vmem>> -> memref<128xi32, #tpu.memory_space<vmem>>
    %dma_start3A_39 = arith.constant 0 : i32
    %dma_start3A_40 = arith.constant 0 : i32
    %dma_start3A_41 = tpu.memref_slice %arg3[%dma_start3A_39, %dma_start3A_40] : memref<1000x16xf32, #tpu.memory_space<hbm>> -> memref<1000x16xf32, #tpu.memory_space<hbm>>
    tpu.enqueue_indirect_dma source(%dma_start3A_41 : memref<1000x16xf32, #tpu.memory_space<hbm>>) target(%dma_start3A_35 : memref<128x16xf32, #tpu.memory_space<vmem>>) offsets(%dma_start3A_38 : memref<128xi32, #tpu.memory_space<vmem>>) semaphore(%arg7 : memref<!tpu.dma_semaphore, #tpu.memory_space<semaphore_mem>>)
    %dma_wait3A = arith.constant 0 : i32
    %dma_wait3A_42 = arith.constant 0 : i32
    %dma_wait3A_43 = arith.constant 0 : i32
    %dma_wait3A_44 = tpu.memref_slice %arg6[%dma_wait3A_42, %dma_wait3A_43] : memref<512x16xf32, #tpu.memory_space<vmem>> -> memref<128x16xf32, #tpu.memory_space<vmem>>
    %dma_wait3A_45 = arith.constant 0 : i32
    %dma_wait3A_46 = tpu.memref_slice %arg5[%dma_wait3A, %dma_wait3A_45] : memref<4x128xi32, #tpu.memory_space<vmem>> -> memref<1x128xi32, #tpu.memory_space<vmem>>
    %dma_wait3A_47 = tpu.memref_squeeze %dma_wait3A_46 : memref<1x128xi32, #tpu.memory_space<vmem>> -> memref<128xi32, #tpu.memory_space<vmem>>
    %dma_wait3A_48 = arith.constant 0 : i32
    %dma_wait3A_49 = arith.constant 0 : i32
    %dma_wait3A_50 = tpu.memref_slice %arg3[%dma_wait3A_48, %dma_wait3A_49] : memref<1000x16xf32, #tpu.memory_space<hbm>> -> memref<1000x16xf32, #tpu.memory_space<hbm>>
    tpu.wait_indirect_dma semaphore(%arg7 : memref<!tpu.dma_semaphore, #tpu.memory_space<semaphore_mem>>) src(%dma_wait3A_50 : memref<1000x16xf32, #tpu.memory_space<hbm>>) dst(%dma_wait3A_44 : memref<128x16xf32, #tpu.memory_space<vmem>>)
    %dma_wait3A_51 = arith.constant 1 : i32
    %dma_wait3A_52 = arith.constant 128 : i32
    %dma_wait3A_53 = arith.constant 0 : i32
    %dma_wait3A_54 = tpu.memref_slice %arg6[%dma_wait3A_52, %dma_wait3A_53] : memref<512x16xf32, #tpu.memory_space<vmem>> -> memref<128x16xf32, #tpu.memory_space<vmem>>
    %dma_wait3A_55 = arith.constant 0 : i32
    %dma_wait3A_56 = tpu.memref_slice %arg5[%dma_wait3A_51, %dma_wait3A_55] : memref<4x128xi32, #tpu.memory_space<vmem>> -> memref<1x128xi32, #tpu.memory_space<vmem>>
    %dma_wait3A_57 = tpu.memref_squeeze %dma_wait3A_56 : memref<1x128xi32, #tpu.memory_space<vmem>> -> memref<128xi32, #tpu.memory_space<vmem>>
    %dma_wait3A_58 = arith.constant 0 : i32
    %dma_wait3A_59 = arith.constant 0 : i32
    %dma_wait3A_60 = tpu.memref_slice %arg3[%dma_wait3A_58, %dma_wait3A_59] : memref<1000x16xf32, #tpu.memory_space<hbm>> -> memref<1000x16xf32, #tpu.memory_space<hbm>>
    tpu.wait_indirect_dma semaphore(%arg7 : memref<!tpu.dma_semaphore, #tpu.memory_space<semaphore_mem>>) src(%dma_wait3A_60 : memref<1000x16xf32, #tpu.memory_space<hbm>>) dst(%dma_wait3A_54 : memref<128x16xf32, #tpu.memory_space<vmem>>)
    %dma_wait3A_61 = arith.constant 2 : i32
    %dma_wait3A_62 = arith.constant 256 : i32
    %dma_wait3A_63 = arith.constant 0 : i32
    %dma_wait3A_64 = tpu.memref_slice %arg6[%dma_wait3A_62, %dma_wait3A_63] : memref<512x16xf32, #tpu.memory_space<vmem>> -> memref<128x16xf32, #tpu.memory_space<vmem>>
    %dma_wait3A_65 = arith.constant 0 : i32
    %dma_wait3A_66 = tpu.memref_slice %arg5[%dma_wait3A_61, %dma_wait3A_65] : memref<4x128xi32, #tpu.memory_space<vmem>> -> memref<1x128xi32, #tpu.memory_space<vmem>>
    %dma_wait3A_67 = tpu.memref_squeeze %dma_wait3A_66 : memref<1x128xi32, #tpu.memory_space<vmem>> -> memref<128xi32, #tpu.memory_space<vmem>>
    %dma_wait3A_68 = arith.constant 0 : i32
    %dma_wait3A_69 = arith.constant 0 : i32
    %dma_wait3A_70 = tpu.memref_slice %arg3[%dma_wait3A_68, %dma_wait3A_69] : memref<1000x16xf32, #tpu.memory_space<hbm>> -> memref<1000x16xf32, #tpu.memory_space<hbm>>
    tpu.wait_indirect_dma semaphore(%arg7 : memref<!tpu.dma_semaphore, #tpu.memory_space<semaphore_mem>>) src(%dma_wait3A_70 : memref<1000x16xf32, #tpu.memory_space<hbm>>) dst(%dma_wait3A_64 : memref<128x16xf32, #tpu.memory_space<vmem>>)
    %dma_wait3A_71 = arith.constant 3 : i32
    %dma_wait3A_72 = arith.constant 384 : i32
    %dma_wait3A_73 = arith.constant 0 : i32
    %dma_wait3A_74 = tpu.memref_slice %arg6[%dma_wait3A_72, %dma_wait3A_73] : memref<512x16xf32, #tpu.memory_space<vmem>> -> memref<128x16xf32, #tpu.memory_space<vmem>>
    %dma_wait3A_75 = arith.constant 0 : i32
    %dma_wait3A_76 = tpu.memref_slice %arg5[%dma_wait3A_71, %dma_wait3A_75] : memref<4x128xi32, #tpu.memory_space<vmem>> -> memref<1x128xi32, #tpu.memory_space<vmem>>
    %dma_wait3A_77 = tpu.memref_squeeze %dma_wait3A_76 : memref<1x128xi32, #tpu.memory_space<vmem>> -> memref<128xi32, #tpu.memory_space<vmem>>
    %dma_wait3A_78 = arith.constant 0 : i32
    %dma_wait3A_79 = arith.constant 0 : i32
    %dma_wait3A_80 = tpu.memref_slice %arg3[%dma_wait3A_78, %dma_wait3A_79] : memref<1000x16xf32, #tpu.memory_space<hbm>> -> memref<1000x16xf32, #tpu.memory_space<hbm>>
    tpu.wait_indirect_dma semaphore(%arg7 : memref<!tpu.dma_semaphore, #tpu.memory_space<semaphore_mem>>) src(%dma_wait3A_80 : memref<1000x16xf32, #tpu.memory_space<hbm>>) dst(%dma_wait3A_74 : memref<128x16xf32, #tpu.memory_space<vmem>>)
    "tpu.region"() ({
      %run_scoped3A = tpu.sem_alloc : memref<!tpu.dma_semaphore, #tpu.memory_space<semaphore_mem>>
      %dma_start3A_81 = arith.constant 0 : i32
      %dma_start3A_82 = tpu.memref_slice %arg4[%mul3A_2, %dma_start3A_81] : memref<16384x16xf32, #tpu.memory_space<hbm>> -> memref<512x16xf32, #tpu.memory_space<hbm>>
      %dma_start3A_83 = arith.constant 0 : i32
      %dma_start3A_84 = tpu.memref_slice %arg4[%mul3A_2, %dma_start3A_83] : memref<16384x16xf32, #tpu.memory_space<hbm>> -> memref<512x16xf32, #tpu.memory_space<hbm>>
      tpu.enqueue_dma source(%arg6 : memref<512x16xf32, #tpu.memory_space<vmem>>) target(%dma_start3A_84 : memref<512x16xf32, #tpu.memory_space<hbm>>) target_semaphore(%run_scoped3A : memref<!tpu.dma_semaphore, #tpu.memory_space<semaphore_mem>>)
      %dma_wait3A_85 = arith.constant 0 : i32
      %dma_wait3A_86 = tpu.memref_slice %arg4[%mul3A_2, %dma_wait3A_85] : memref<16384x16xf32, #tpu.memory_space<hbm>> -> memref<512x16xf32, #tpu.memory_space<hbm>>
      %dma_wait3A_87 = arith.constant 0 : i32
      %dma_wait3A_88 = tpu.memref_slice %arg4[%mul3A_2, %dma_wait3A_87] : memref<16384x16xf32, #tpu.memory_space<hbm>> -> memref<512x16xf32, #tpu.memory_space<hbm>>
      tpu.wait_dma2 semaphore(%run_scoped3A : memref<!tpu.dma_semaphore, #tpu.memory_space<semaphore_mem>>) src(%arg6 : memref<512x16xf32, #tpu.memory_space<vmem>>) dst(%dma_wait3A_88 : memref<512x16xf32, #tpu.memory_space<hbm>>)
      tpu.yield
    }) : () -> ()
    return
  }
}

module attributes {stable_mosaic.version = 14 : i64} {
  func.func @_mlp_body(%arg0: i32, %arg1: memref<4096x128xf32, #tpu.memory_space<vmem>>, %arg2: memref<4096x128xf32, #tpu.memory_space<vmem>>, %arg3: memref<4096x16xf32, #tpu.memory_space<vmem>>, %arg4: memref<4096x31xf32, #tpu.memory_space<vmem>>, %arg5: memref<299x128xf32, #tpu.memory_space<vmem>>, %arg6: memref<1x128xf32, #tpu.memory_space<vmem>>, %arg7: memref<128x32xf32, #tpu.memory_space<vmem>>, %arg8: memref<1x32xf32, #tpu.memory_space<vmem>>, %arg9: memref<32x1xf32, #tpu.memory_space<vmem>>, %arg10: memref<1x1xf32, #tpu.memory_space<vmem>>, %arg11: memref<4096x1xf32, #tpu.memory_space<vmem>>, %arg12: memref<32x128xf32, #tpu.memory_space<vmem>>) attributes {dimension_semantics = [#tpu.dimension_semantics<arbitrary>], iteration_bounds = array<i64: 4>, scalar_prefetch = 0 : i64, scratch_operands = 1 : i64, tpu.core_type = #tpu.core_type<tc>, window_params = [{transform_indices = @transform_0, window_bounds = array<i64: 4096, 128>}, {transform_indices = @transform_1, window_bounds = array<i64: 4096, 128>}, {transform_indices = @transform_2, window_bounds = array<i64: 4096, 16>}, {transform_indices = @transform_3, window_bounds = array<i64: 4096, 31>}, {pipeline_mode = #tpu.pipeline_mode<synchronous>, transform_indices = @transform_4, window_bounds = array<i64: 299, 128>}, {pipeline_mode = #tpu.pipeline_mode<synchronous>, transform_indices = @transform_5, window_bounds = array<i64: 1, 128>}, {pipeline_mode = #tpu.pipeline_mode<synchronous>, transform_indices = @transform_6, window_bounds = array<i64: 128, 32>}, {pipeline_mode = #tpu.pipeline_mode<synchronous>, transform_indices = @transform_7, window_bounds = array<i64: 1, 32>}, {pipeline_mode = #tpu.pipeline_mode<synchronous>, transform_indices = @transform_8, window_bounds = array<i64: 32, 1>}, {pipeline_mode = #tpu.pipeline_mode<synchronous>, transform_indices = @transform_9, window_bounds = array<i64: 1, 1>}, {transform_indices = @transform_10, window_bounds = array<i64: 4096, 1>}]} {
    %eq3A = arith.constant 0 : i32
    %eq3A_0 = arith.cmpi eq, %arg0, %eq3A : i32
    %convert_element_type3A = arith.extui %eq3A_0 : i1 to i32
    %cond3A = arith.constant 0 : i32
    %cond3A_1 = arith.cmpi ne, %convert_element_type3A, %cond3A : i32
    scf.if %cond3A_1 {
      %broadcast_in_dim3A = arith.constant 0.000000e+00 : f32
      %broadcast_in_dim3A_66 = vector.broadcast %broadcast_in_dim3A : f32 to vector<32x128xf32>
      %swap3A_67 = arith.constant 0 : index
      %swap3A_68 = arith.constant 0 : index
      %swap3A_69 = vector.load %arg12[%swap3A_67, %swap3A_68] : memref<32x128xf32, #tpu.memory_space<vmem>>, vector<32x128xf32>
      tpu.vector_store %arg12[%swap3A_67, %swap3A_68], %broadcast_in_dim3A_66 {strides = array<i32>} : memref<32x128xf32, #tpu.memory_space<vmem>>, vector<32x128xf32>,
      %get3A_70 = arith.constant 272 : index
      %get3A_71 = arith.constant 0 : index
      %get3A_72 = vector.load %arg5[%get3A_70, %get3A_71] : memref<299x128xf32, #tpu.memory_space<vmem>>, vector<16x128xf32>
      %swap3A_73 = arith.constant 2 : index
      %swap3A_74 = arith.constant 0 : index
      %swap3A_75 = vector.load %arg12[%swap3A_73, %swap3A_74] : memref<32x128xf32, #tpu.memory_space<vmem>>, vector<16x128xf32>
      tpu.vector_store %arg12[%swap3A_73, %swap3A_74], %get3A_72 {strides = array<i32>} : memref<32x128xf32, #tpu.memory_space<vmem>>, vector<16x128xf32>,
      %get3A_76 = arith.constant 288 : index
      %get3A_77 = arith.constant 0 : index
      %get3A_78 = vector.load %arg5[%get3A_76, %get3A_77] : memref<299x128xf32, #tpu.memory_space<vmem>>, vector<11x128xf32>
      %swap3A_79 = arith.constant 20 : index
      %swap3A_80 = arith.constant 0 : index
      %swap3A_81 = vector.load %arg12[%swap3A_79, %swap3A_80] : memref<32x128xf32, #tpu.memory_space<vmem>>, vector<11x128xf32>
      tpu.vector_store %arg12[%swap3A_79, %swap3A_80], %get3A_78 {strides = array<i32>} : memref<32x128xf32, #tpu.memory_space<vmem>>, vector<11x128xf32>,
    } else {
    }
    %get3A = arith.constant 0 : index
    %get3A_2 = arith.constant 0 : index
    %get3A_3 = vector.load %arg1[%get3A, %get3A_2] : memref<4096x128xf32, #tpu.memory_space<vmem>>, vector<4096x128xf32>
    %get3A_4 = arith.constant 0 : index
    %get3A_5 = arith.constant 0 : index
    %get3A_6 = vector.load %arg5[%get3A_4, %get3A_5] : memref<299x128xf32, #tpu.memory_space<vmem>>, vector<128x128xf32>
    %dot_general3A = arith.constant dense<0.000000e+00> : vector<4096x128xf32>
    %dot_general3A_7 = tpu.matmul %get3A_3, %get3A_6, %dot_general3A {dimension_numbers = #tpu.dot_dimension_numbers<[1], [0], [0], [1], [0, 0, 1, 1], [], []>, transpose_lhs_hint = false} : vector<4096x128xf32>, vector<128x128xf32>, vector<4096x128xf32> -> vector<4096x128xf32>
    %get3A_8 = arith.constant 0 : index
    %get3A_9 = arith.constant 0 : index
    %get3A_10 = vector.load %arg2[%get3A_8, %get3A_9] : memref<4096x128xf32, #tpu.memory_space<vmem>>, vector<4096x128xf32>
    %get3A_11 = arith.constant 128 : index
    %get3A_12 = arith.constant 0 : index
    %get3A_13 = vector.load %arg5[%get3A_11, %get3A_12] : memref<299x128xf32, #tpu.memory_space<vmem>>, vector<128x128xf32>
    %dot_general3A_14 = arith.constant dense<0.000000e+00> : vector<4096x128xf32>
    %dot_general3A_15 = tpu.matmul %get3A_10, %get3A_13, %dot_general3A_14 {dimension_numbers = #tpu.dot_dimension_numbers<[1], [0], [0], [1], [0, 0, 1, 1], [], []>, transpose_lhs_hint = false} : vector<4096x128xf32>, vector<128x128xf32>, vector<4096x128xf32> -> vector<4096x128xf32>
    %add3A = arith.addf %dot_general3A_7, %dot_general3A_15 : vector<4096x128xf32>
    %get3A_16 = arith.constant 0 : index
    %get3A_17 = arith.constant 0 : index
    %get3A_18 = vector.load %arg3[%get3A_16, %get3A_17] : memref<4096x16xf32, #tpu.memory_space<vmem>>, vector<4096x16xf32>
    %get3A_19 = arith.constant 256 : index
    %get3A_20 = arith.constant 0 : index
    %get3A_21 = vector.load %arg5[%get3A_19, %get3A_20] : memref<299x128xf32, #tpu.memory_space<vmem>>, vector<16x128xf32>
    %dot_general3A_22 = arith.constant dense<0.000000e+00> : vector<4096x128xf32>
    %dot_general3A_23 = tpu.matmul %get3A_18, %get3A_21, %dot_general3A_22 {dimension_numbers = #tpu.dot_dimension_numbers<[1], [0], [0], [1], [0, 0, 1, 1], [], []>, transpose_lhs_hint = false} : vector<4096x16xf32>, vector<16x128xf32>, vector<4096x128xf32> -> vector<4096x128xf32>
    %add3A_24 = arith.addf %add3A, %dot_general3A_23 : vector<4096x128xf32>
    %get3A_25 = arith.constant 0 : index
    %get3A_26 = arith.constant 0 : index
    %get3A_27 = vector.load %arg4[%get3A_25, %get3A_26] : memref<4096x31xf32, #tpu.memory_space<vmem>>, vector<4096x31xf32>
    %get3A_28 = arith.constant 0 : index
    %get3A_29 = arith.constant 0 : index
    %get3A_30 = vector.load %arg12[%get3A_28, %get3A_29] : memref<32x128xf32, #tpu.memory_space<vmem>>, vector<31x128xf32>
    %dot_general3A_31 = arith.constant dense<0.000000e+00> : vector<4096x128xf32>
    %dot_general3A_32 = tpu.matmul %get3A_27, %get3A_30, %dot_general3A_31 {dimension_numbers = #tpu.dot_dimension_numbers<[1], [0], [0], [1], [0, 0, 1, 1], [], []>, transpose_lhs_hint = false} : vector<4096x31xf32>, vector<31x128xf32>, vector<4096x128xf32> -> vector<4096x128xf32>
    %add3A_33 = arith.addf %add3A_24, %dot_general3A_32 : vector<4096x128xf32>
    %get3A_34 = arith.constant 0 : index
    %get3A_35 = arith.constant 0 : index
    %get3A_36 = vector.load %arg6[%get3A_34, %get3A_35] : memref<1x128xf32, #tpu.memory_space<vmem>>, vector<1x128xf32>
    %add3A_37 = vector.broadcast %get3A_36 : vector<1x128xf32> to vector<4096x128xf32>
    %add3A_38 = arith.addf %add3A_33, %add3A_37 : vector<4096x128xf32>
    %max3A = arith.constant 0.000000e+00 : f32
    %max3A_39 = vector.broadcast %max3A : f32 to vector<4096x128xf32>
    %max3A_40 = arith.maximumf %add3A_38, %max3A_39 : vector<4096x128xf32>
    %get3A_41 = arith.constant 0 : index
    %get3A_42 = arith.constant 0 : index
    %get3A_43 = vector.load %arg7[%get3A_41, %get3A_42] : memref<128x32xf32, #tpu.memory_space<vmem>>, vector<128x32xf32>
    %dot_general3A_44 = arith.constant dense<0.000000e+00> : vector<4096x32xf32>
    %dot_general3A_45 = tpu.matmul %max3A_40, %get3A_43, %dot_general3A_44 {dimension_numbers = #tpu.dot_dimension_numbers<[1], [0], [0], [1], [0, 0, 1, 1], [], []>, transpose_lhs_hint = false} : vector<4096x128xf32>, vector<128x32xf32>, vector<4096x32xf32> -> vector<4096x32xf32>
    %get3A_46 = arith.constant 0 : index
    %get3A_47 = arith.constant 0 : index
    %get3A_48 = vector.load %arg8[%get3A_46, %get3A_47] : memref<1x32xf32, #tpu.memory_space<vmem>>, vector<1x32xf32>
    %add3A_49 = vector.broadcast %get3A_48 : vector<1x32xf32> to vector<4096x32xf32>
    %add3A_50 = arith.addf %dot_general3A_45, %add3A_49 : vector<4096x32xf32>
    %max3A_51 = arith.constant 0.000000e+00 : f32
    %max3A_52 = vector.broadcast %max3A_51 : f32 to vector<4096x32xf32>
    %max3A_53 = arith.maximumf %add3A_50, %max3A_52 : vector<4096x32xf32>
    %get3A_54 = arith.constant 0 : index
    %get3A_55 = arith.constant 0 : index
    %get3A_56 = vector.load %arg9[%get3A_54, %get3A_55] : memref<32x1xf32, #tpu.memory_space<vmem>>, vector<32x1xf32>
    %dot_general3A_57 = arith.constant dense<0.000000e+00> : vector<4096x1xf32>
    %dot_general3A_58 = tpu.matmul %max3A_53, %get3A_56, %dot_general3A_57 {dimension_numbers = #tpu.dot_dimension_numbers<[1], [0], [0], [1], [0, 0, 1, 1], [], []>, transpose_lhs_hint = false} : vector<4096x32xf32>, vector<32x1xf32>, vector<4096x1xf32> -> vector<4096x1xf32>
    %get3A_59 = arith.constant 0 : index
    %get3A_60 = arith.constant 0 : index
    %get3A_61 = vector.load %arg10[%get3A_59, %get3A_60] : memref<1x1xf32, #tpu.memory_space<vmem>>, vector<1x1xf32>
    %add3A_62 = vector.broadcast %get3A_61 : vector<1x1xf32> to vector<4096x1xf32>
    %add3A_63 = arith.addf %dot_general3A_58, %add3A_62 : vector<4096x1xf32>
    %tanh3A = math.tanh %add3A_63 : vector<4096x1xf32>
    %swap3A = arith.constant 0 : index
    %swap3A_64 = arith.constant 0 : index
    %swap3A_65 = vector.load %arg11[%swap3A, %swap3A_64] : memref<4096x1xf32, #tpu.memory_space<vmem>>, vector<4096x1xf32>
    tpu.vector_store %arg11[%swap3A, %swap3A_64], %tanh3A {strides = array<i32>} : memref<4096x1xf32, #tpu.memory_space<vmem>>, vector<4096x1xf32>,
    return
  }
  func.func @transform_0(%arg0: i32) -> (i32, i32) {
    %c0_i32 = arith.constant 0 : i32
    %c0_i32_0 = arith.constant 0 : i32
    return %arg0, %c0_i32 : i32, i32
  }
  func.func @transform_1(%arg0: i32) -> (i32, i32) {
    %c0_i32 = arith.constant 0 : i32
    %c0_i32_0 = arith.constant 0 : i32
    return %arg0, %c0_i32 : i32, i32
  }
  func.func @transform_2(%arg0: i32) -> (i32, i32) {
    %c0_i32 = arith.constant 0 : i32
    %c0_i32_0 = arith.constant 0 : i32
    return %arg0, %c0_i32 : i32, i32
  }
  func.func @transform_3(%arg0: i32) -> (i32, i32) {
    %c0_i32 = arith.constant 0 : i32
    %c0_i32_0 = arith.constant 0 : i32
    return %arg0, %c0_i32 : i32, i32
  }
  func.func @transform_4(%arg0: i32) -> (i32, i32) {
    %c0_i32 = arith.constant 0 : i32
    %c0_i32_0 = arith.constant 0 : i32
    %c0_i32_1 = arith.constant 0 : i32
    return %c0_i32, %c0_i32_0 : i32, i32
  }
  func.func @transform_5(%arg0: i32) -> (i32, i32) {
    %c0_i32 = arith.constant 0 : i32
    %c0_i32_0 = arith.constant 0 : i32
    %c0_i32_1 = arith.constant 0 : i32
    return %c0_i32, %c0_i32_0 : i32, i32
  }
  func.func @transform_6(%arg0: i32) -> (i32, i32) {
    %c0_i32 = arith.constant 0 : i32
    %c0_i32_0 = arith.constant 0 : i32
    %c0_i32_1 = arith.constant 0 : i32
    return %c0_i32, %c0_i32_0 : i32, i32
  }
  func.func @transform_7(%arg0: i32) -> (i32, i32) {
    %c0_i32 = arith.constant 0 : i32
    %c0_i32_0 = arith.constant 0 : i32
    %c0_i32_1 = arith.constant 0 : i32
    return %c0_i32, %c0_i32_0 : i32, i32
  }
  func.func @transform_8(%arg0: i32) -> (i32, i32) {
    %c0_i32 = arith.constant 0 : i32
    %c0_i32_0 = arith.constant 0 : i32
    %c0_i32_1 = arith.constant 0 : i32
    return %c0_i32, %c0_i32_0 : i32, i32
  }
  func.func @transform_9(%arg0: i32) -> (i32, i32) {
    %c0_i32 = arith.constant 0 : i32
    %c0_i32_0 = arith.constant 0 : i32
    %c0_i32_1 = arith.constant 0 : i32
    return %c0_i32, %c0_i32_0 : i32, i32
  }
  func.func @transform_10(%arg0: i32) -> (i32, i32) {
    %c0_i32 = arith.constant 0 : i32
    %c0_i32_0 = arith.constant 0 : i32
    return %arg0, %c0_i32 : i32, i32
  }
}

</mosaic_0001>

<sc_bundles>
// kernel: kernel.5.cloned.1.call-start
scs
__scs_entry_jumppad:
0x0: {  	(pc) =	sbr.rel $0x88, $3  }
0x1: {  	(tag) =	ssettag $0x0;
	lr =	simm.s32 $0x1  }
0x2: {  	[smem:$0x3F97] =	sst lr;
	_ =	strace $0xD0000000  }
0x3: {  	_ = 	snop  }
0x4: {  	_ = 	snop  }
0x5: {  	_ = 	snop  }
0x6: {  	_ = 	snop  }
0x7: {  	_ = 	snop  }
__scs_overlays_trampoline_lowered:
0x8: {  	[smem:$0x3FA6] =	sst s0  }
0x9: {  	[smem:$0x3FA7] =	sst s1  }
0xa: {  	[smem:$0x3FA8] =	sst s2  }
0xb: {  	[smem:$0x3FA9] =	sst s3  }
0xc: {  	[smem:$0x3FAA] =	sst s4  }
0xd: {  	[smem:$0x3FAB] =	sst s5  }
0xe: {  	[smem:$0x3FAC] =	sst s6  }
0xf: {  	[smem:$0x3FAD] =	sst s7  }
0x10: {  	[smem:$0x3FAE] =	sst s8  }
0x11: {  	[smem:$0x3FAF] =	sst s9;
	s0 =	simm.s32 @!p0 $0x0  }
0x12: {  	s1 =	sld [smem:$0x3F95];
	s0 =	simm.s32 @p0 $0x1  }
0x13: {  	[smem:$0x3FB0] =	sst s0;
	s0 =	simm.s32 @!p1 $0x0  }
0x14: {  	s2 =	sld [smem:$0x3F94];
	s0 =	simm.s32 @p1 $0x1  }
0x15: {  	[smem:$0x3FB1] =	sst s0;
	s0 =	simm.s32 @!p2 $0x0  }
0x16: {  	s3 =	sld [smem:$0x3FDB];
	s0 =	simm.s32 @p2 $0x1  }
0x17: {  	s4 =	simm.s32 $0x1BF5;
	[smem:$0x3FB3] =	sst s0  }
0x18: {  	s0 =	sld [smem:$0x3F96];
	_ =	swait.ge [sflag:s4], $0x0  }
0x19: {  	s7 =	sld [smem:$0x3F97]  }
0x1a: {  	s8 =	sadd.s32 $0xFFFFE003, lr  }
0x1b: {  	s9 =	sadd.s32 $0xFFFFFEF7, lr;
	s5 =	simm.s32 $0xFFFFFFFF;
	p2 =	slt.u32 s8, $0xFFFFF086  }
0x1c: {  	p1 =	slt.u32 s9, $0xF7A;
	s5 =	simm.s32 @!p2 $0x0  }
0x1d: {  	s5 =	simm.s32 @p1 $0x1;
	p0 =	seq.s32 s7, s2  }
0x1e: {  	s7 =	smul.u32 @!p0 $0xF7A, s2;
	p2 =	seq.s32 @!p0 s5, $0x0  }
0x1f: {  	s9 =	smul.u32 $0xF7A, s1;
	s8 =	simm.s32 @!p0 $0x1BF5;
	p2 =	por !p2, p0  }
0x20: {  	[sflag:s8] =	ssyncset.s32 @!p0 $0xFFFFF086;
	s6 =	sadd.s32 @!p0 s3, s7;
	s7 =	simm.s32 @!p0 $0x108  }
0x21: {  	s3 =	sadd.s32 s3, s9;
	s6 =	sadd.s32 @!p0 $0x88, s6;
	s7 =	simm.s32 @p2 $0x1082  }
0x22: {  	[simem:s7], [sflag:s8] =	dma.local @!p0 [hbm:s6], $0xF7A  }
0x23: {  	s9 =	sor.u32 $0xD0000000, s2;
	s6 =	simm.s32 $0x108;
	_ =	swait.ge @!p0 [sflag:s8], $0x0  }
0x24: {  	s3 =	sadd.s32 $0x88, s3;
	s6 =	simm.s32 @!p1 $0x1082;
	[sflag:s4] =	ssyncset.s32 $0xFFFFF086  }
0x25: {  	[simem:s6], [sflag:s4] =	dma.local [hbm:s3], $0xF7A  }
0x26: {  	[smem:$0x3F97] =	sst s1;
	(tag) =	ssettag s2;
	_ =	strace s9  }
0x27: {  	s1 =	sld [smem:$0x3FA7]  }
0x28: {  	s2 =	sld [smem:$0x3FA8]  }
0x29: {  	s4 =	sld [smem:$0x3FAA]  }
0x2a: {  	p0 =	seq.s32 s5, $0x0;
	s5 =	sld [smem:$0x3FAB]  }
0x2b: {  	s6 =	sld [smem:$0x3FAC]  }
0x2c: {  	s7 =	sld [smem:$0x3FAD]  }
0x2d: {  	s3 =	simm.s32 $0x108;
	s8 =	sld [smem:$0x3FAE]  }
0x2e: {  	s3 =	simm.s32 @!p0 $0x1082;
	s9 =	sld [smem:$0x3FAF]  }
0x2f: {  	lr =	sadd.s32 s0, s3;
	s0 =	sld [smem:$0x3FA6]  }
0x30: {  	s3 =	sld [smem:$0x3FA9]  }
0x31: {  	[smem:$0x3FB2] =	sst s10  }
0x32: {  	s10 =	sld [smem:$0x3FB0];
	_ =	sdelay $0x3  }
0x33: {  	p0 =	seq.s32 s10, $0x1;
	s10 =	sld [smem:$0x3FB2];
	_ =	sdelay $0x3  }
0x34: {  	[smem:$0x3FB2] =	sst s10  }
0x35: {  	s10 =	sld [smem:$0x3FB1];
	_ =	sdelay $0x3  }
0x36: {  	p1 =	seq.s32 s10, $0x1;
	s10 =	sld [smem:$0x3FB2];
	_ =	sdelay $0x3  }
0x37: {  	[smem:$0x3FB2] =	sst s10  }
0x38: {  	s10 =	sld [smem:$0x3FB3]  }
0x39: {  	_ = 	snop;
	(pc) =	sbr.ind lr, $3  }
0x3a: {  	_ = 	snop  }
0x3b: {  	_ = 	snop  }
0x3c: {  	p2 =	seq.s32 s10, $0x1;
	s10 =	sld [smem:$0x3FB2]  }
0x3d: {  	_ =	shalt  }
0x3e: {  	_ =	shalt  }
0x3f: {  	_ =	shalt  }
0x40: {  	_ =	shalt  }
0x41: {  	_ =	shalt  }
0x42: {  	_ =	shalt  }
0x43: {  	_ =	shalt  }
0x44: {  	_ =	shalt  }
0x45: {  	_ =	shalt  }
0x46: {  	_ =	shalt  }
0x47: {  	_ =	shalt  }
0x48: {  	_ =	shalt  }
0x49: {  	_ =	shalt  }
0x4a: {  	_ =	shalt  }
0x4b: {  	_ =	shalt  }
0x4c: {  	_ =	shalt  }
0x4d: {  	_ =	shalt  }
0x4e: {  	_ =	shalt  }
0x4f: {  	_ =	shalt  }
0x50: {  	_ =	shalt  }
0x51: {  	_ =	shalt  }
0x52: {  	_ =	shalt  }
0x53: {  	_ =	shalt  }
0x54: {  	_ =	shalt  }
0x55: {  	_ =	shalt  }
0x56: {  	_ =	shalt  }
0x57: {  	_ =	shalt  }
0x58: {  	_ =	shalt  }
0x59: {  	_ =	shalt  }
0x5a: {  	_ =	shalt  }
0x5b: {  	_ =	shalt  }
0x5c: {  	_ =	shalt  }
0x5d: {  	_ =	shalt  }
0x5e: {  	_ =	shalt  }
0x5f: {  	_ =	shalt  }
0x60: {  	_ =	shalt  }
0x61: {  	_ =	shalt  }
0x62: {  	_ =	shalt  }
0x63: {  	_ =	shalt  }
0x64: {  	_ =	shalt  }
0x65: {  	_ =	shalt  }
0x66: {  	_ =	shalt  }
0x67: {  	_ =	shalt  }
0x68: {  	_ =	shalt  }
0x69: {  	_ =	shalt  }
0x6a: {  	_ =	shalt  }
0x6b: {  	_ =	shalt  }
0x6c: {  	_ =	shalt  }
0x6d: {  	_ =	shalt  }
0x6e: {  	_ =	shalt  }
0x6f: {  	_ =	shalt  }
0x70: {  	_ =	shalt  }
0x71: {  	_ =	shalt  }
0x72: {  	_ =	shalt  }
0x73: {  	_ =	shalt  }
0x74: {  	_ =	shalt  }
0x75: {  	_ =	shalt  }
0x76: {  	_ =	shalt  }
0x77: {  	_ =	shalt  }
0x78: {  	_ =	shalt  }
0x79: {  	_ =	shalt  }
0x7a: {  	_ =	shalt  }
0x7b: {  	_ =	shalt  }
0x7c: {  	_ =	shalt  }
0x7d: {  	_ =	shalt  }
0x7e: {  	_ =	shalt  }
0x7f: {  	_ =	shalt  }
0x80: {  	_ =	shalt  }
0x81: {  	_ =	shalt  }
0x82: {  	_ =	shalt  }
0x83: {  	_ =	shalt  }
0x84: {  	_ =	shalt  }
0x85: {  	_ =	shalt  }
0x86: {  	_ =	shalt  }
0x87: {  	_ =	shalt  }
.Lfunc_end0:
.L_simem_size_0:
called_computation_lowered:
.L_overlay_start_0:
0x88: {  	s2 =	sld [smem:$0x3FD9]  }
0x89: {  	s3 =	sld [smem:$0x3FFE];
	_ =	sdelay $0x1  }
0x8a: {  	s1 =	srdreg.scid  }
0x8b: {  	s0 =	sand.u32 $0x1, s1  }
0x8c: {  	s17 =	sshll.u32 s0, $0xA;
	s2 =	sadd.s32 s3, s2  }
0x8d: {  	s2 =	sadd.s32 s2, s17  }
0x8e: {  	[smem:$0x3FBE] =	sst s2  }
0x8f: {  	_ = 	snop  }
0x90: {  	s2 =	sld [smem:$0x3FD0];
	(tm) =	ssettm $0x1  }
0x91: {  	s18 =	sld [smem:$0x3FFB];
	_ =	sdelay $0x3  }
0x92: {  	_ =	strace s18  }
0x93: {  	s3 =	sld [smem:$0x3FFC];
	_ =	sdelay $0x3  }
0x94: {  	_ =	strace s3  }
0x95: {  	s3 =	sld [smem:$0x3FFD];
	_ =	sdelay $0x3  }
0x96: {  	_ =	strace s3  }
0x97: {  	_ =	strace $0x8FFFFFFF  }
0x98: {  	s19 =	sld [smem:$0x3FDB];
	_ =	sdelay $0x1  }
0x99: {  	s4 =	simm.s32 $_scs_section_size  }
0x9a: {  	s5 =	simm.s32 $_size__tile_overlayer_lowered;
	s6 =	simm.s32 $_tile_overlayer_lowered  }
0x9b: {  	s22 =	simm.s32 $0x1BFF;
	s21 =	sshll.u32 s6, $0x1;
	s3 =	sadd.s32 s4, s19  }
0x9c: {  	s7 =	simm.s32 $0x0;
	s20 =	sshll.u32 s5, $0x1;
	s5 =	sadd.s32 s21, s3  }
0x9d: {  	[timem:s7], [sflag:s22] =	dma.local [hbm:s5], s20  }
0x9e: {  	_ =	swait.ge [sflag:s22], s20  }
0x9f: {  	s4 =	ssub.s32 $0x0, s20;
	[sflag:s22] =	ssyncset.done $0x0  }
0xa0: {  	[sflag:s22] =	ssyncadd.s32 s4;
	_ =	sdelay $0x1  }
0xa1: {  	s23 =	simm.s32 $0x1B8B  }
0xa2: {  	_ =	swait.ge [sflag:s23], $0x1  }
0xa3: {  	[sflag:s23] =	ssyncset.done $0x0  }
0xa4: {  	s25 =	simm.s32 $0x1B8E;
	s24 =	sld [smem:$0x3FFE];
	[sflag:s23] =	ssyncadd.s32 $0xFFFFFFFF  }
0xa5: {  	s26 =	simm.s32 $execute0_lowered;
	[smem:$0x3FD2] =	sst s25  }
0xa6: {  	s5 =	sshll.u32 s26, $0x1;
	_ =	strace $0x80000046;
	[dreg:$0x1] =	wrdreg $0xFFFFFFFF  }
0xa7: {  	s28 =	simm.s32 $_size_execute0_lowered;
	s3 =	sadd.s32 s3, s5;
	[dreg:$0x0] =	wrdreg $0x0  }
0xa8: {  	s5 =	sshll.u32 s28, $0x1;
	[dreg:$0x2] =	wrdreg s3  }
0xa9: {  	[dreg:$0x3] =	wrdreg s5  }
0xaa: {  	[dreg:$0x4] =	wrdreg $0xC0  }
0xab: {  	_ =	task [dreg:s7], $0x5FFFF  }
0xac: {  	[dreg:$0x1] =	wrdreg $0xFFFFFFFF  }
0xad: {  	[dreg:$0x0] =	wrdreg $0x60  }
0xae: {  	[dreg:$0x2] =	wrdreg s2  }
0xaf: {  	[dreg:$0x3] =	wrdreg s24  }
0xb0: {  	[dreg:$0x4] =	wrdreg $0x9  }
0xb1: {  	_ =	task.clear_ibuf [dreg:s7], $0x5FFFF;
	_ =	strace $0x90000046  }
0xb2: {  	s29 =	simm.s32 $0x9;
	_ =	strace $0x80000048  }
0xb3: {  	_ =	swait.ge [sflag:s29], $0x1  }
0xb4: {  	[sflag:s29] =	ssyncadd.s32 $0xFFFFFFFF  }
0xb5: {  	_ =	strace $0x90000048  }
0xb6: {  	_ =	sfence  }
0xb7: {  	s30 =	sld [smem:$0x0];
	_ =	sdelay $0x2  }
0xb8: {  	s31 =	sshll.u32 s1, $0xD;
	s1 =	sshrl.u32 s1, $0x2  }
0xb9: {  	s3 =	sand.u32 $0x4000, s31;
	s1 =	sadd.s32 s1, s30  }
0xba: {  	s0 =	sor.u32 s3, s0;
	s1 =	sshll.u32 s1, $0x11  }
0xbb: {  	s0 =	sor.u32 s1, s0  }
0xbc: {  	s0 =	sadd.s32 $0x8F2B, s0  }
0xbd: {  	[sflag:s0] =	ssyncadd.remote.s32 $0x1  }
0xbe: {  	_ =	sfence.sel $0xFFFF  }
0xbf: {  	[dreg:$0x0] =	wrdreg $0xFFFFFFFF;
	(pc) =	sbr.abs _section_cstart, $3  }
0xc0: {  	[dreg:$0x1] =	wrdreg $0xFFFFFFFF  }
0xc1: {  	_ =	task.clear_ibuf [dreg:s7], $0x2FFFF;
	_ =	strace $0x9FFFFFFF  }
0xc2: {  	(tm) =	ssettm $0x7FFFFFFF  }
0xc3: {  	_ =	shalt  }
tec
execute0_lowered:
.L_overlay_start_1:
0x0: {  	(tag) =	ssettag $0x1  }
0x1: {  	s1 =	srdreg.scid  }
0x2: {  	s3 =	rddreg [dreg:$0x0];
	s0 =	stileid.u32;
	s14 =	sand.u32 $0x1, s1  }
0x3: {  	s15 =	rddreg [dreg:$0x1];
	s4 =	sshll.u32 s0, $0xA;
	s5 =	sshll.u32 s14, $0x9  }
0x4: {  	s2 =	simm.s32 $0x0;
	s1 =	rddreg [dreg:$0x2];
	s16 =	sor.u32 s5, s4  }
0x5: {  	[smem:$0x7FF] =	sst s2;
	s4 =	sshrl.u32 s16, $0x3  }
0x6: {  	_ =	strace $0x80000047;
	s4 =	sadd.s32 s3, s4;
	s3 =	simm.s32 $0x2  }
0x7: {  	[tilespmem:s2], [sflag:$0x2] =	stream.linear.gather [hbm4b:s4+s2], $0x200, $0x38;
	[tilespmem:$0x2200] =	vst v63  }
0x8: {  	_ =	swait.ge [sflag:s3], $0x200  }
0x9: {  	s6 =	simm.s32 $0x80;
	[sflag:s3] =	ssyncset.done $0x0  }
0xa: {  	s7 =	simm.s32 $0x200;
	s5 =	sadd.s32 $0x2C00, s15;
	[sflag:s3] =	ssyncadd.s32 $0xFFFFFE00  }
0xb: {  	[tilespmem:s7], [sflag:$0x1] =	stream.indirect.gather [hbm4b:s5+s6], $0x10, s2, s6, $0xb8;
	[tilespmem:$0x2200] =	vst v63  }
0xc: {  	s8 =	simm.s32 $0xA00  }
0xd: {  	[tilespmem:s8], [sflag:$0x1] =	stream.indirect.gather [hbm4b:s5+s6], $0x10, s6, s6, $0xb8;
	[tilespmem:$0x2200] =	vst v63  }
0xe: {  	s9 =	simm.s32 $0x100;
	s10 =	simm.s32 $0x1200  }
0xf: {  	[tilespmem:s10], [sflag:$0x1] =	stream.indirect.gather [hbm4b:s5+s6], $0x10, s9, s6, $0xb8;
	[tilespmem:$0x2200] =	vst v63  }
0x10: {  	s11 =	simm.s32 $0x180;
	s12 =	simm.s32 $0x1A00;
	s13 =	simm.s32 $0x1  }
0x11: {  	[tilespmem:s12], [sflag:$0x1] =	stream.indirect.gather [hbm4b:s5+s6], $0x10, s11, s6, $0xb8;
	[tilespmem:$0x2200] =	vst v63  }
0x12: {  	_ =	swait.ge [sflag:s13], $0x800  }
0x13: {  	[sflag:s13] =	ssyncset.done $0x0  }
0x14: {  	[sflag:s13] =	ssyncadd.s32 $0xFFFFF800  }
0x15: {  	_ =	swait.ge [sflag:s13], $0x800  }
0x16: {  	[sflag:s13] =	ssyncset.done $0x0  }
0x17: {  	s14 =	ssub.s32 $0x2, s14;
	[sflag:s13] =	ssyncadd.s32 $0xFFFFF800  }
0x18: {  	s17 =	sshrl.u32 s14, $0x1;
	_ =	swait.ge [sflag:s13], $0x800  }
0x19: {  	s30 =	ssub.s32 s14, s17;
	[sflag:s13] =	ssyncset.done $0x0  }
0x1a: {  	s31 =	smax.u32 s30, $0x1;
	[sflag:s13] =	ssyncadd.s32 $0xFFFFF800  }
0x1b: {  	s16 =	sshll.u32 s16, $0x1;
	p0 =	sne.s32 s31, $0x1;
	_ =	swait.ge [sflag:s13], $0x800  }
.Ltmp0:
0x1c: {  	s15 =	sadd.s32 s16, s15;
	[sflag:s13] =	ssyncset.done $0x0;
	(pc) =	sbr.rel @!p0 .LBB2_2-.Ltmp0, $4  }
0x1d: {  	s14 =	sadd.s32 $0x3400, s15;
	[sflag:s13] =	ssyncadd.s32 $0xFFFFF800  }
0x1e: {  	[hbm4b:s14+s2] =	stream.linear.scatter [tilespmem:s7], [sflag:$0x2], $0x2000, $0x38;
	[tilespmem:$0x2200] =	vst v63  }
0x1f: {  	_ =	swait.ge [sflag:s3], $0x2000  }
0x20: {  	s15 =	sadd.s32 $0xFFFFFFFF, s31;
	[sflag:s3] =	ssyncset.done $0x0  }
.LBB2_1:
0x21: {  	p0 =	sne.s32 s15, $0x1;
	s15 =	sadd.s32 $0xFFFFFFFF, s15;
	[sflag:s3] =	ssyncadd.s32 $0xFFFFE000  }
0x22: {  	[tilespmem:s2], [sflag:$0x2] =	stream.linear.gather [hbm4b:s4+s2], $0x200, $0x38;
	[tilespmem:$0x2200] =	vst v63  }
0x23: {  	_ =	swait.ge [sflag:s3], $0x200  }
0x24: {  	[sflag:s3] =	ssyncset.done $0x0  }
0x25: {  	[sflag:s3] =	ssyncadd.s32 $0xFFFFFE00  }
0x26: {  	[tilespmem:s7], [sflag:$0x1] =	stream.indirect.gather [hbm4b:s5+s6], $0x10, s2, s6, $0xb8;
	[tilespmem:$0x2200] =	vst v63  }
0x27: {  	_ = 	snop  }
0x28: {  	[tilespmem:s8], [sflag:$0x1] =	stream.indirect.gather [hbm4b:s5+s6], $0x10, s6, s6, $0xb8;
	[tilespmem:$0x2200] =	vst v63  }
0x29: {  	_ = 	snop  }
0x2a: {  	[tilespmem:s10], [sflag:$0x1] =	stream.indirect.gather [hbm4b:s5+s6], $0x10, s9, s6, $0xb8;
	[tilespmem:$0x2200] =	vst v63  }
0x2b: {  	_ = 	snop  }
0x2c: {  	[tilespmem:s12], [sflag:$0x1] =	stream.indirect.gather [hbm4b:s5+s6], $0x10, s11, s6, $0xb8;
	[tilespmem:$0x2200] =	vst v63  }
0x2d: {  	_ =	swait.ge [sflag:s13], $0x800  }
0x2e: {  	[sflag:s13] =	ssyncset.done $0x0  }
0x2f: {  	[sflag:s13] =	ssyncadd.s32 $0xFFFFF800  }
0x30: {  	_ =	swait.ge [sflag:s13], $0x800  }
0x31: {  	[sflag:s13] =	ssyncset.done $0x0  }
0x32: {  	[sflag:s13] =	ssyncadd.s32 $0xFFFFF800  }
0x33: {  	_ =	swait.ge [sflag:s13], $0x800  }
0x34: {  	[sflag:s13] =	ssyncset.done $0x0  }
0x35: {  	[sflag:s13] =	ssyncadd.s32 $0xFFFFF800  }
0x36: {  	_ =	swait.ge [sflag:s13], $0x800  }
.Ltmp1:
0x37: {  	[sflag:s13] =	ssyncset.done $0x0;
	(pc) =	sbr.rel @p0 .LBB2_1-.Ltmp1, $4  }
0x38: {  	[sflag:s13] =	ssyncadd.s32 $0xFFFFF800  }
0x39: {  	[hbm4b:s14+s2] =	stream.linear.scatter [tilespmem:s7], [sflag:$0x2], $0x2000, $0x38;
	[tilespmem:$0x2200] =	vst v63  }
0x3a: {  	_ =	swait.ge [sflag:s3], $0x2000  }
0x3b: {  	[sflag:s3] =	ssyncset.done $0x0  }
.LBB2_2:
0x3c: {  	[sflag:s3] =	ssyncadd.s32 $0xFFFFE000  }
0x3d: {  	_ =	sfence.sel $0x180000  }
0x3e: {  	[bflag:$0x0] =	sbarrier.arrive $0xFFFF  }
0x3f: {  	p0 =	sne.s32 s0, $0x0;
	_ =	strace $0x90000047  }
0x40: {  	s0 =	sadd.s32 @!p0 $0x100000, s1;
	[bflag:$0x2] =	sbarrier.arrive $0xFFFF  }
0x41: {  	[sflag:s0] =	ssyncadd.tile.s32 @!p0 $0x1;
	_ =	shalt  }
.Lfunc_end2:
_tile_overlayer_lowered:
.L_overlay_start_2:
0x42: {  	(tag) =	ssettag $0x2  }
0x43: {  	s0 =	rddreg [dreg:$0x0];
	s2 =	stileid.u32  }
0x44: {  	s1 =	rddreg [dreg:$0x1];
	p0 =	sne.s32 s2, $0x0  }
0x45: {  	s3 =	rddreg [dreg:$0x2];
	[bflag:$0x3] =	sbarrier.arrive $0xFFFF;
	s2 =	simm.s32 @!p0 $0x1C02  }
0x46: {  	[timem:s3], [sflag:s2] =	dma.local @!p0 [hbm:s0], s1  }
0x47: {  	s0 =	simm.s32 @!p0 $0x2  }
0x48: {  	_ =	swait.ge @!p0 [sflag:s0], s1  }
0x49: {  	s1 =	ssub.s32 @!p0 $0x0, s1;
	[sflag:s0] =	ssyncset.done @!p0 $0x0  }
0x4a: {  	[sflag:s0] =	ssyncadd.s32 @!p0 s1  }
0x4b: {  	[bflag:$0x3] =	sbarrier.arrive $0xFFFF  }
0x4c: {  	_ =	shalt  }

// kernel: kernel.8.cloned.1.call-start
scs
__scs_entry_jumppad:
0x0: {  	(pc) =	sbr.rel $0x88, $3  }
0x1: {  	(tag) =	ssettag $0x0;
	lr =	simm.s32 $0x1  }
0x2: {  	[smem:$0x3F97] =	sst lr;
	_ =	strace $0xD0000000  }
0x3: {  	_ = 	snop  }
0x4: {  	_ = 	snop  }
0x5: {  	_ = 	snop  }
0x6: {  	_ = 	snop  }
0x7: {  	_ = 	snop  }
__scs_overlays_trampoline_lowered:
0x8: {  	[smem:$0x3FA6] =	sst s0  }
0x9: {  	[smem:$0x3FA7] =	sst s1  }
0xa: {  	[smem:$0x3FA8] =	sst s2  }
0xb: {  	[smem:$0x3FA9] =	sst s3  }
0xc: {  	[smem:$0x3FAA] =	sst s4  }
0xd: {  	[smem:$0x3FAB] =	sst s5  }
0xe: {  	[smem:$0x3FAC] =	sst s6  }
0xf: {  	[smem:$0x3FAD] =	sst s7  }
0x10: {  	[smem:$0x3FAE] =	sst s8  }
0x11: {  	[smem:$0x3FAF] =	sst s9;
	s0 =	simm.s32 @!p0 $0x0  }
0x12: {  	s1 =	sld [smem:$0x3F95];
	s0 =	simm.s32 @p0 $0x1  }
0x13: {  	[smem:$0x3FB0] =	sst s0;
	s0 =	simm.s32 @!p1 $0x0  }
0x14: {  	s2 =	sld [smem:$0x3F94];
	s0 =	simm.s32 @p1 $0x1  }
0x15: {  	[smem:$0x3FB1] =	sst s0;
	s0 =	simm.s32 @!p2 $0x0  }
0x16: {  	s3 =	sld [smem:$0x3FDB];
	s0 =	simm.s32 @p2 $0x1  }
0x17: {  	s4 =	simm.s32 $0x1BF5;
	[smem:$0x3FB3] =	sst s0  }
0x18: {  	s0 =	sld [smem:$0x3F96];
	_ =	swait.ge [sflag:s4], $0x0  }
0x19: {  	s7 =	sld [smem:$0x3F97]  }
0x1a: {  	s8 =	sadd.s32 $0xFFFFE003, lr  }
0x1b: {  	s9 =	sadd.s32 $0xFFFFFEF7, lr;
	s5 =	simm.s32 $0xFFFFFFFF;
	p2 =	slt.u32 s8, $0xFFFFF086  }
0x1c: {  	p1 =	slt.u32 s9, $0xF7A;
	s5 =	simm.s32 @!p2 $0x0  }
0x1d: {  	s5 =	simm.s32 @p1 $0x1;
	p0 =	seq.s32 s7, s2  }
0x1e: {  	s7 =	smul.u32 @!p0 $0xF7A, s2;
	p2 =	seq.s32 @!p0 s5, $0x0  }
0x1f: {  	s9 =	smul.u32 $0xF7A, s1;
	s8 =	simm.s32 @!p0 $0x1BF5;
	p2 =	por !p2, p0  }
0x20: {  	[sflag:s8] =	ssyncset.s32 @!p0 $0xFFFFF086;
	s6 =	sadd.s32 @!p0 s3, s7;
	s7 =	simm.s32 @!p0 $0x108  }
0x21: {  	s3 =	sadd.s32 s3, s9;
	s6 =	sadd.s32 @!p0 $0x88, s6;
	s7 =	simm.s32 @p2 $0x1082  }
0x22: {  	[simem:s7], [sflag:s8] =	dma.local @!p0 [hbm:s6], $0xF7A  }
0x23: {  	s9 =	sor.u32 $0xD0000000, s2;
	s6 =	simm.s32 $0x108;
	_ =	swait.ge @!p0 [sflag:s8], $0x0  }
0x24: {  	s3 =	sadd.s32 $0x88, s3;
	s6 =	simm.s32 @!p1 $0x1082;
	[sflag:s4] =	ssyncset.s32 $0xFFFFF086  }
0x25: {  	[simem:s6], [sflag:s4] =	dma.local [hbm:s3], $0xF7A  }
0x26: {  	[smem:$0x3F97] =	sst s1;
	(tag) =	ssettag s2;
	_ =	strace s9  }
0x27: {  	s1 =	sld [smem:$0x3FA7]  }
0x28: {  	s2 =	sld [smem:$0x3FA8]  }
0x29: {  	s4 =	sld [smem:$0x3FAA]  }
0x2a: {  	p0 =	seq.s32 s5, $0x0;
	s5 =	sld [smem:$0x3FAB]  }
0x2b: {  	s6 =	sld [smem:$0x3FAC]  }
0x2c: {  	s7 =	sld [smem:$0x3FAD]  }
0x2d: {  	s3 =	simm.s32 $0x108;
	s8 =	sld [smem:$0x3FAE]  }
0x2e: {  	s3 =	simm.s32 @!p0 $0x1082;
	s9 =	sld [smem:$0x3FAF]  }
0x2f: {  	lr =	sadd.s32 s0, s3;
	s0 =	sld [smem:$0x3FA6]  }
0x30: {  	s3 =	sld [smem:$0x3FA9]  }
0x31: {  	[smem:$0x3FB2] =	sst s10  }
0x32: {  	s10 =	sld [smem:$0x3FB0];
	_ =	sdelay $0x3  }
0x33: {  	p0 =	seq.s32 s10, $0x1;
	s10 =	sld [smem:$0x3FB2];
	_ =	sdelay $0x3  }
0x34: {  	[smem:$0x3FB2] =	sst s10  }
0x35: {  	s10 =	sld [smem:$0x3FB1];
	_ =	sdelay $0x3  }
0x36: {  	p1 =	seq.s32 s10, $0x1;
	s10 =	sld [smem:$0x3FB2];
	_ =	sdelay $0x3  }
0x37: {  	[smem:$0x3FB2] =	sst s10  }
0x38: {  	s10 =	sld [smem:$0x3FB3]  }
0x39: {  	_ = 	snop;
	(pc) =	sbr.ind lr, $3  }
0x3a: {  	_ = 	snop  }
0x3b: {  	_ = 	snop  }
0x3c: {  	p2 =	seq.s32 s10, $0x1;
	s10 =	sld [smem:$0x3FB2]  }
0x3d: {  	_ =	shalt  }
0x3e: {  	_ =	shalt  }
0x3f: {  	_ =	shalt  }
0x40: {  	_ =	shalt  }
0x41: {  	_ =	shalt  }
0x42: {  	_ =	shalt  }
0x43: {  	_ =	shalt  }
0x44: {  	_ =	shalt  }
0x45: {  	_ =	shalt  }
0x46: {  	_ =	shalt  }
0x47: {  	_ =	shalt  }
0x48: {  	_ =	shalt  }
0x49: {  	_ =	shalt  }
0x4a: {  	_ =	shalt  }
0x4b: {  	_ =	shalt  }
0x4c: {  	_ =	shalt  }
0x4d: {  	_ =	shalt  }
0x4e: {  	_ =	shalt  }
0x4f: {  	_ =	shalt  }
0x50: {  	_ =	shalt  }
0x51: {  	_ =	shalt  }
0x52: {  	_ =	shalt  }
0x53: {  	_ =	shalt  }
0x54: {  	_ =	shalt  }
0x55: {  	_ =	shalt  }
0x56: {  	_ =	shalt  }
0x57: {  	_ =	shalt  }
0x58: {  	_ =	shalt  }
0x59: {  	_ =	shalt  }
0x5a: {  	_ =	shalt  }
0x5b: {  	_ =	shalt  }
0x5c: {  	_ =	shalt  }
0x5d: {  	_ =	shalt  }
0x5e: {  	_ =	shalt  }
0x5f: {  	_ =	shalt  }
0x60: {  	_ =	shalt  }
0x61: {  	_ =	shalt  }
0x62: {  	_ =	shalt  }
0x63: {  	_ =	shalt  }
0x64: {  	_ =	shalt  }
0x65: {  	_ =	shalt  }
0x66: {  	_ =	shalt  }
0x67: {  	_ =	shalt  }
0x68: {  	_ =	shalt  }
0x69: {  	_ =	shalt  }
0x6a: {  	_ =	shalt  }
0x6b: {  	_ =	shalt  }
0x6c: {  	_ =	shalt  }
0x6d: {  	_ =	shalt  }
0x6e: {  	_ =	shalt  }
0x6f: {  	_ =	shalt  }
0x70: {  	_ =	shalt  }
0x71: {  	_ =	shalt  }
0x72: {  	_ =	shalt  }
0x73: {  	_ =	shalt  }
0x74: {  	_ =	shalt  }
0x75: {  	_ =	shalt  }
0x76: {  	_ =	shalt  }
0x77: {  	_ =	shalt  }
0x78: {  	_ =	shalt  }
0x79: {  	_ =	shalt  }
0x7a: {  	_ =	shalt  }
0x7b: {  	_ =	shalt  }
0x7c: {  	_ =	shalt  }
0x7d: {  	_ =	shalt  }
0x7e: {  	_ =	shalt  }
0x7f: {  	_ =	shalt  }
0x80: {  	_ =	shalt  }
0x81: {  	_ =	shalt  }
0x82: {  	_ =	shalt  }
0x83: {  	_ =	shalt  }
0x84: {  	_ =	shalt  }
0x85: {  	_ =	shalt  }
0x86: {  	_ =	shalt  }
0x87: {  	_ =	shalt  }
.Lfunc_end0:
.L_simem_size_0:
called_computation.1_lowered:
.L_overlay_start_0:
0x88: {  	s2 =	sld [smem:$0x3FD9]  }
0x89: {  	s3 =	sld [smem:$0x3FFE];
	_ =	sdelay $0x1  }
0x8a: {  	s1 =	srdreg.scid  }
0x8b: {  	s0 =	sand.u32 $0x1, s1  }
0x8c: {  	s17 =	sshll.u32 s0, $0xA;
	s2 =	sadd.s32 s3, s2  }
0x8d: {  	s2 =	sadd.s32 s2, s17  }
0x8e: {  	[smem:$0x3FBE] =	sst s2  }
0x8f: {  	_ = 	snop  }
0x90: {  	s18 =	sld [smem:$0x3FC8]  }
0x91: {  	s4 =	sld [smem:$0x3FC7];
	(tm) =	ssettm $0x1  }
0x92: {  	s19 =	sld [smem:$0x3FFB];
	_ =	sdelay $0x3  }
0x93: {  	_ =	strace s19  }
0x94: {  	s2 =	sld [smem:$0x3FFC];
	_ =	sdelay $0x3  }
0x95: {  	_ =	strace s2  }
0x96: {  	s2 =	sld [smem:$0x3FFD];
	_ =	sdelay $0x3  }
0x97: {  	_ =	strace s2  }
0x98: {  	_ =	strace $0x8FFFFFFF  }
0x99: {  	s20 =	sld [smem:$0x3FDB];
	_ =	sdelay $0x1  }
0x9a: {  	s5 =	simm.s32 $_scs_section_size  }
0x9b: {  	s6 =	simm.s32 $_size__tile_overlayer_lowered;
	s7 =	simm.s32 $_tile_overlayer_lowered  }
0x9c: {  	s8 =	simm.s32 $0x1BFF;
	s21 =	sshll.u32 s7, $0x1;
	s5 =	sadd.s32 s5, s20  }
0x9d: {  	s22 =	simm.s32 $0x0;
	s6 =	sshll.u32 s6, $0x1;
	s7 =	sadd.s32 s21, s5  }
0x9e: {  	[timem:s22], [sflag:s8] =	dma.local [hbm:s7], s6  }
0x9f: {  	_ =	swait.ge [sflag:s8], s6  }
0xa0: {  	s6 =	ssub.s32 $0x0, s6;
	[sflag:s8] =	ssyncset.done $0x0  }
0xa1: {  	[sflag:s8] =	ssyncadd.s32 s6;
	_ =	sdelay $0x1  }
0xa2: {  	s23 =	simm.s32 $0x1B8B  }
0xa3: {  	_ =	swait.ge [sflag:s23], $0x1  }
0xa4: {  	[sflag:s23] =	ssyncset.done $0x0  }
0xa5: {  	[sflag:s23] =	ssyncadd.s32 $0xFFFFFFFF  }
0xa6: {  	s6 =	sld [smem:$0x0]  }
0xa7: {  	s7 =	sand.u32 $0xFFFFFFFE, s1  }
0xa8: {  	p0 =	sne.s32 s1, s7  }
0xa9: {  	s7 =	sshll.u32 @p0 s7, $0xE  }
0xaa: {  	s7 =	sadd.s32 @p0 $0x11B8D, s7;
	s8 =	sshll.u32 @p0 s6, $0x11  }
0xab: {  	s7 =	sor.u32 @p0 s8, s7  }
0xac: {  	[sflag:s7] =	ssyncadd.remote.s32 @p0 $0x1;
	_ =	sdelay $0x1  }
0xad: {  	s7 =	simm.s32 @p0 $0x1B8D  }
0xae: {  	_ =	swait.eq @p0 [sflag:s7], $0x1  }
0xaf: {  	[sflag:s7] =	ssyncadd.s32 @p0 $0xFFFFFFFF  }
0xb0: {  	s8 =	sshll.u32 @!p0 s1, $0xE  }
0xb1: {  	s8 =	sor.u32 @!p0 $0x4000, s8;
	s7 =	simm.s32 @!p0 $0x1B8D  }
0xb2: {  	s6 =	sshll.u32 @!p0 s6, $0x11;
	s8 =	sadd.s32 @!p0 $0x11B8D, s8;
	_ =	swait.eq @!p0 [sflag:s7], $0x1  }
0xb3: {  	s6 =	sor.u32 @!p0 s6, s8;
	[sflag:s7] =	ssyncadd.s32 @!p0 $0xFFFFFFFF  }
0xb4: {  	s25 =	simm.s32 $0x1B8E;
	s24 =	sld [smem:$0x3FFE];
	[sflag:s6] =	ssyncadd.remote.s32 @!p0 $0x1  }
0xb5: {  	s26 =	simm.s32 $execute0_lowered;
	[smem:$0x3FD2] =	sst s25  }
0xb6: {  	s7 =	sshll.u32 s26, $0x1;
	_ =	strace $0x80000049;
	[dreg:$0x1] =	wrdreg $0xFFFFFFFF  }
0xb7: {  	s28 =	simm.s32 $_size_execute0_lowered;
	s5 =	sadd.s32 s5, s7;
	[dreg:$0x0] =	wrdreg $0x0  }
0xb8: {  	s7 =	sshll.u32 s28, $0x1;
	[dreg:$0x2] =	wrdreg s5  }
0xb9: {  	[dreg:$0x3] =	wrdreg s7  }
0xba: {  	[dreg:$0x4] =	wrdreg $0xC0  }
0xbb: {  	_ =	task [dreg:s22], $0x5FFFF  }
0xbc: {  	[dreg:$0x1] =	wrdreg $0xFFFFFFFF  }
0xbd: {  	[dreg:$0x0] =	wrdreg $0x60  }
0xbe: {  	[dreg:$0x2] =	wrdreg s24  }
0xbf: {  	[dreg:$0x3] =	wrdreg s18  }
0xc0: {  	[dreg:$0x4] =	wrdreg s4  }
0xc1: {  	[dreg:$0x5] =	wrdreg $0xA  }
0xc2: {  	_ =	task.clear_ibuf [dreg:s22], $0x6FFFF;
	_ =	strace $0x90000049  }
0xc3: {  	s29 =	simm.s32 $0xA;
	_ =	strace $0x8000004B  }
0xc4: {  	_ =	swait.ge [sflag:s29], $0x1  }
0xc5: {  	[sflag:s29] =	ssyncadd.s32 $0xFFFFFFFF  }
0xc6: {  	_ =	strace $0x9000004B  }
0xc7: {  	_ =	sfence  }
0xc8: {  	s30 =	sld [smem:$0x0];
	_ =	sdelay $0x2  }
0xc9: {  	s31 =	sshll.u32 s1, $0xD;
	s1 =	sshrl.u32 s1, $0x2  }
0xca: {  	s4 =	sand.u32 $0x4000, s31;
	s1 =	sadd.s32 s1, s30  }
0xcb: {  	s0 =	sor.u32 s4, s0;
	s1 =	sshll.u32 s1, $0x11  }
0xcc: {  	s0 =	sor.u32 s1, s0  }
0xcd: {  	s0 =	sadd.s32 $0x8F2B, s0  }
0xce: {  	[sflag:s0] =	ssyncadd.remote.s32 $0x1  }
0xcf: {  	_ =	sfence.sel $0xFFFF  }
0xd0: {  	[dreg:$0x0] =	wrdreg $0xFFFFFFFF;
	(pc) =	sbr.abs _section_cstart, $3  }
0xd1: {  	[dreg:$0x1] =	wrdreg $0xFFFFFFFF  }
0xd2: {  	_ =	task.clear_ibuf [dreg:s22], $0x2FFFF;
	_ =	strace $0x9FFFFFFF  }
0xd3: {  	(tm) =	ssettm $0x7FFFFFFF  }
tec
execute0_lowered:
.L_overlay_start_1:
0x0: {  	(tag) =	ssettag $0x1  }
0x1: {  	s1 =	srdreg.scid  }
0x2: {  	s0 =	stileid.u32;
	s30 =	sand.u32 $0x1, s1  }
0x3: {  	s25 =	rddreg [dreg:$0x0];
	s26 =	sshll.u32 s0, $0xA;
	s4 =	sshll.u32 s30, $0x9  }
0x4: {  	s2 =	rddreg [dreg:$0x1];
	s17 =	sor.u32 s4, s26  }
0x5: {  	s3 =	rddreg [dreg:$0x2];
	s4 =	simm.s32 $0x0;
	s5 =	sshrl.u32 s17, $0x3  }
0x6: {  	[smem:$0x7FF] =	sst s4;
	s7 =	sadd.s32 s5, s25  }
0x7: {  	s6 =	simm.s32 $0x3;
	_ =	strace $0x8000004A;
	s5 =	sadd.s32 $0x2400, s7  }
0x8: {  	[tilespmem:s4], [sflag:$0x3] =	stream.linear.gather [hbm4b:s5+s4], $0x200, $0x38;
	[tilespmem:$0x10400] =	vst v63  }
0x9: {  	_ =	swait.ge [sflag:s6], $0x200  }
0xa: {  	[sflag:s6] =	ssyncset.done $0x0  }
0xb: {  	s8 =	simm.s32 $0x200;
	s7 =	sadd.s32 $0x1C00, s7;
	[sflag:s6] =	ssyncadd.s32 $0xFFFFFE00  }
0xc: {  	[tilespmem:s8], [sflag:$0x3] =	stream.linear.gather [hbm4b:s7+s4], $0x200, $0x38;
	[tilespmem:$0x10400] =	vst v63  }
0xd: {  	_ =	swait.ge [sflag:s6], $0x200  }
0xe: {  	[sflag:s6] =	ssyncset.done $0x0  }
0xf: {  	s9 =	simm.s32 $0x80;
	s10 =	simm.s32 $0x400;
	[sflag:s6] =	ssyncadd.s32 $0xFFFFFE00  }
0x10: {  	[tilespmem:s10], [sflag:$0x1] =	stream.indirect.gather [hbm4b:s2+s9], $0x80, s4, s9, $0xb8;
	[tilespmem:$0x10400] =	vst v63  }
0x11: {  	s11 =	simm.s32 $0x4400  }
0x12: {  	[tilespmem:s11], [sflag:$0x1] =	stream.indirect.gather [hbm4b:s2+s9], $0x80, s9, s9, $0xb8;
	[tilespmem:$0x10400] =	vst v63  }
0x13: {  	s12 =	simm.s32 $0x100;
	s13 =	simm.s32 $0x8400  }
0x14: {  	[tilespmem:s13], [sflag:$0x1] =	stream.indirect.gather [hbm4b:s2+s9], $0x80, s12, s9, $0xb8;
	[tilespmem:$0x10400] =	vst v63  }
0x15: {  	s14 =	simm.s32 $0x180;
	s15 =	simm.s32 $0xC400;
	s16 =	simm.s32 $0x1  }
0x16: {  	[tilespmem:s15], [sflag:$0x1] =	stream.indirect.gather [hbm4b:s2+s9], $0x80, s14, s9, $0xb8;
	[tilespmem:$0x10400] =	vst v63  }
0x17: {  	_ =	swait.ge [sflag:s16], $0x4000  }
0x18: {  	s20 =	sadd.s32 $0xB400, s25;
	s26 =	sshll.u32 s17, $0x4;
	[sflag:s16] =	ssyncset.done $0x0  }
0x19: {  	s17 =	sadd.s32 s20, s26;
	[sflag:s16] =	ssyncadd.s32 $0xFFFFC000  }
0x1a: {  	[hbm4b:s17+s4] =	stream.linear.scatter [tilespmem:s10], [sflag:$0x2], $0x4000, $0x38;
	[tilespmem:$0x10400] =	vst v63  }
0x1b: {  	_ =	swait.ge [sflag:s16], $0x4000  }
0x1c: {  	s28 =	sor.u32 $0x800, s26;
	[sflag:s16] =	ssyncset.done $0x0  }
0x1d: {  	s18 =	sadd.s32 s20, s28;
	[sflag:s16] =	ssyncadd.s32 $0xFFFFC000  }
0x1e: {  	[hbm4b:s18+s4] =	stream.linear.scatter [tilespmem:s11], [sflag:$0x2], $0x4000, $0x38;
	[tilespmem:$0x10400] =	vst v63  }
0x1f: {  	_ =	swait.ge [sflag:s16], $0x4000  }
0x20: {  	s29 =	sor.u32 $0x1000, s26;
	[sflag:s16] =	ssyncset.done $0x0  }
0x21: {  	s19 =	sadd.s32 s20, s29;
	[sflag:s16] =	ssyncadd.s32 $0xFFFFC000  }
0x22: {  	[hbm4b:s19+s4] =	stream.linear.scatter [tilespmem:s13], [sflag:$0x2], $0x4000, $0x38;
	[tilespmem:$0x10400] =	vst v63  }
0x23: {  	_ =	swait.ge [sflag:s16], $0x4000  }
0x24: {  	s31 =	sor.u32 $0x1800, s26;
	[sflag:s16] =	ssyncset.done $0x0  }
0x25: {  	s21 =	simm.s32 $0x2;
	s20 =	sadd.s32 s20, s31;
	[sflag:s16] =	ssyncadd.s32 $0xFFFFC000  }
0x26: {  	[hbm4b:s20+s4] =	stream.linear.scatter [tilespmem:s15], [sflag:$0x2], $0x4000, $0x38;
	[tilespmem:$0x10400] =	vst v63  }
0x27: {  	_ =	swait.ge [sflag:s21], $0x4000  }
0x28: {  	[sflag:s21] =	ssyncset.done $0x0  }
0x29: {  	[sflag:s21] =	ssyncadd.s32 $0xFFFFC000  }
0x2a: {  	[tilespmem:s10], [sflag:$0x1] =	stream.indirect.gather [hbm4b:s3+s9], $0x80, s8, s9, $0xb8;
	[tilespmem:$0x10400] =	vst v63  }
0x2b: {  	_ =	swait.ge [sflag:s21], $0x4000  }
0x2c: {  	[sflag:s21] =	ssyncset.done $0x0  }
0x2d: {  	s22 =	simm.s32 $0x280;
	[sflag:s21] =	ssyncadd.s32 $0xFFFFC000  }
0x2e: {  	[tilespmem:s11], [sflag:$0x1] =	stream.indirect.gather [hbm4b:s3+s9], $0x80, s22, s9, $0xb8;
	[tilespmem:$0x10400] =	vst v63  }
0x2f: {  	_ =	swait.ge [sflag:s21], $0x4000  }
0x30: {  	[sflag:s21] =	ssyncset.done $0x0  }
0x31: {  	s23 =	simm.s32 $0x300;
	[sflag:s21] =	ssyncadd.s32 $0xFFFFC000  }
0x32: {  	[tilespmem:s13], [sflag:$0x1] =	stream.indirect.gather [hbm4b:s3+s9], $0x80, s23, s9, $0xb8;
	[tilespmem:$0x10400] =	vst v63  }
0x33: {  	_ =	swait.ge [sflag:s21], $0x4000  }
0x34: {  	[sflag:s21] =	ssyncset.done $0x0  }
0x35: {  	s24 =	simm.s32 $0x380;
	[sflag:s21] =	ssyncadd.s32 $0xFFFFC000  }
0x36: {  	[tilespmem:s15], [sflag:$0x1] =	stream.indirect.gather [hbm4b:s3+s9], $0x80, s24, s9, $0xb8;
	[tilespmem:$0x10400] =	vst v63  }
0x37: {  	_ =	swait.ge [sflag:s16], $0x4000  }
0x38: {  	s1 =	sadd.s32 $0x4B400, s25;
	[sflag:s16] =	ssyncset.done $0x0  }
0x39: {  	s25 =	sadd.s32 s1, s26;
	[sflag:s16] =	ssyncadd.s32 $0xFFFFC000  }
0x3a: {  	[hbm4b:s25+s4] =	stream.linear.scatter [tilespmem:s10], [sflag:$0x2], $0x4000, $0x38;
	[tilespmem:$0x10400] =	vst v63  }
0x3b: {  	_ =	swait.ge [sflag:s16], $0x4000  }
0x3c: {  	[sflag:s16] =	ssyncset.done $0x0  }
0x3d: {  	s26 =	sadd.s32 s1, s28;
	[sflag:s16] =	ssyncadd.s32 $0xFFFFC000  }
0x3e: {  	[hbm4b:s26+s4] =	stream.linear.scatter [tilespmem:s11], [sflag:$0x2], $0x4000, $0x38;
	[tilespmem:$0x10400] =	vst v63  }
0x3f: {  	_ =	swait.ge [sflag:s16], $0x4000  }
0x40: {  	[sflag:s16] =	ssyncset.done $0x0  }
0x41: {  	s28 =	sadd.s32 s1, s29;
	[sflag:s16] =	ssyncadd.s32 $0xFFFFC000  }
0x42: {  	[hbm4b:s28+s4] =	stream.linear.scatter [tilespmem:s13], [sflag:$0x2], $0x4000, $0x38;
	[tilespmem:$0x10400] =	vst v63  }
0x43: {  	_ =	swait.ge [sflag:s16], $0x4000  }
0x44: {  	[sflag:s16] =	ssyncset.done $0x0  }
0x45: {  	s29 =	sadd.s32 s1, s31;
	[sflag:s16] =	ssyncadd.s32 $0xFFFFC000  }
0x46: {  	[hbm4b:s29+s4] =	stream.linear.scatter [tilespmem:s15], [sflag:$0x2], $0x4000, $0x38;
	[tilespmem:$0x10400] =	vst v63  }
0x47: {  	_ =	swait.ge [sflag:s21], $0x4000  }
0x48: {  	s31 =	ssub.s32 $0x2, s30;
	[sflag:s21] =	ssyncset.done $0x0  }
0x49: {  	s30 =	sshrl.u32 s31, $0x1;
	[sflag:s21] =	ssyncadd.s32 $0xFFFFC000  }
0x4a: {  	s1 =	ssub.s32 s31, s30;
	_ =	swait.ge [sflag:s21], $0x4000  }
0x4b: {  	s1 =	smax.u32 s1, $0x1;
	[sflag:s21] =	ssyncset.done $0x0  }
0x4c: {  	p0 =	sne.s32 s1, $0x1;
	[sflag:s21] =	ssyncadd.s32 $0xFFFFC000  }
.Ltmp0:
0x4d: {  	_ =	swait.ge [sflag:s21], $0x4000;
	(pc) =	sbr.rel @!p0 .LBB2_2-.Ltmp0, $4  }
0x4e: {  	[sflag:s21] =	ssyncset.done $0x0  }
0x4f: {  	[sflag:s21] =	ssyncadd.s32 $0xFFFFC000  }
0x50: {  	_ =	swait.ge [sflag:s21], $0x4000  }
0x51: {  	s30 =	sadd.s32 $0xFFFFFFFF, s1;
	[sflag:s21] =	ssyncset.done $0x0  }
.LBB2_1:
0x52: {  	p0 =	sne.s32 s30, $0x1;
	s30 =	sadd.s32 $0xFFFFFFFF, s30;
	[sflag:s21] =	ssyncadd.s32 $0xFFFFC000  }
0x53: {  	[tilespmem:s4], [sflag:$0x3] =	stream.linear.gather [hbm4b:s5+s4], $0x200, $0x38;
	[tilespmem:$0x10400] =	vst v63  }
0x54: {  	_ =	swait.ge [sflag:s6], $0x200  }
0x55: {  	[sflag:s6] =	ssyncset.done $0x0  }
0x56: {  	[sflag:s6] =	ssyncadd.s32 $0xFFFFFE00  }
0x57: {  	[tilespmem:s8], [sflag:$0x3] =	stream.linear.gather [hbm4b:s7+s4], $0x200, $0x38;
	[tilespmem:$0x10400] =	vst v63  }
0x58: {  	_ =	swait.ge [sflag:s6], $0x200  }
0x59: {  	[sflag:s6] =	ssyncset.done $0x0  }
0x5a: {  	[sflag:s6] =	ssyncadd.s32 $0xFFFFFE00  }
0x5b: {  	[tilespmem:s10], [sflag:$0x1] =	stream.indirect.gather [hbm4b:s2+s9], $0x80, s4, s9, $0xb8;
	[tilespmem:$0x10400] =	vst v63  }
0x5c: {  	_ = 	snop  }
0x5d: {  	[tilespmem:s11], [sflag:$0x1] =	stream.indirect.gather [hbm4b:s2+s9], $0x80, s9, s9, $0xb8;
	[tilespmem:$0x10400] =	vst v63  }
0x5e: {  	_ = 	snop  }
0x5f: {  	[tilespmem:s13], [sflag:$0x1] =	stream.indirect.gather [hbm4b:s2+s9], $0x80, s12, s9, $0xb8;
	[tilespmem:$0x10400] =	vst v63  }
0x60: {  	_ = 	snop  }
0x61: {  	[tilespmem:s15], [sflag:$0x1] =	stream.indirect.gather [hbm4b:s2+s9], $0x80, s14, s9, $0xb8;
	[tilespmem:$0x10400] =	vst v63  }
0x62: {  	_ =	swait.ge [sflag:s16], $0x4000  }
0x63: {  	[sflag:s16] =	ssyncset.done $0x0  }
0x64: {  	[sflag:s16] =	ssyncadd.s32 $0xFFFFC000  }
0x65: {  	[hbm4b:s17+s4] =	stream.linear.scatter [tilespmem:s10], [sflag:$0x2], $0x4000, $0x38;
	[tilespmem:$0x10400] =	vst v63  }
0x66: {  	_ =	swait.ge [sflag:s16], $0x4000  }
0x67: {  	[sflag:s16] =	ssyncset.done $0x0  }
0x68: {  	[sflag:s16] =	ssyncadd.s32 $0xFFFFC000  }
0x69: {  	[hbm4b:s18+s4] =	stream.linear.scatter [tilespmem:s11], [sflag:$0x2], $0x4000, $0x38;
	[tilespmem:$0x10400] =	vst v63  }
0x6a: {  	_ =	swait.ge [sflag:s16], $0x4000  }
0x6b: {  	[sflag:s16] =	ssyncset.done $0x0  }
0x6c: {  	[sflag:s16] =	ssyncadd.s32 $0xFFFFC000  }
0x6d: {  	[hbm4b:s19+s4] =	stream.linear.scatter [tilespmem:s13], [sflag:$0x2], $0x4000, $0x38;
	[tilespmem:$0x10400] =	vst v63  }
0x6e: {  	_ =	swait.ge [sflag:s16], $0x4000  }
0x6f: {  	[sflag:s16] =	ssyncset.done $0x0  }
0x70: {  	[sflag:s16] =	ssyncadd.s32 $0xFFFFC000  }
0x71: {  	[hbm4b:s20+s4] =	stream.linear.scatter [tilespmem:s15], [sflag:$0x2], $0x4000, $0x38;
	[tilespmem:$0x10400] =	vst v63  }
0x72: {  	_ =	swait.ge [sflag:s21], $0x4000  }
0x73: {  	[sflag:s21] =	ssyncset.done $0x0  }
0x74: {  	[sflag:s21] =	ssyncadd.s32 $0xFFFFC000  }
0x75: {  	[tilespmem:s10], [sflag:$0x1] =	stream.indirect.gather [hbm4b:s3+s9], $0x80, s8, s9, $0xb8;
	[tilespmem:$0x10400] =	vst v63  }
0x76: {  	_ =	swait.ge [sflag:s21], $0x4000  }
0x77: {  	[sflag:s21] =	ssyncset.done $0x0  }
0x78: {  	[sflag:s21] =	ssyncadd.s32 $0xFFFFC000  }
0x79: {  	[tilespmem:s11], [sflag:$0x1] =	stream.indirect.gather [hbm4b:s3+s9], $0x80, s22, s9, $0xb8;
	[tilespmem:$0x10400] =	vst v63  }
0x7a: {  	_ =	swait.ge [sflag:s21], $0x4000  }
0x7b: {  	[sflag:s21] =	ssyncset.done $0x0  }
0x7c: {  	[sflag:s21] =	ssyncadd.s32 $0xFFFFC000  }
0x7d: {  	[tilespmem:s13], [sflag:$0x1] =	stream.indirect.gather [hbm4b:s3+s9], $0x80, s23, s9, $0xb8;
	[tilespmem:$0x10400] =	vst v63  }
0x7e: {  	_ =	swait.ge [sflag:s21], $0x4000  }
0x7f: {  	[sflag:s21] =	ssyncset.done $0x0  }
0x80: {  	[sflag:s21] =	ssyncadd.s32 $0xFFFFC000  }
0x81: {  	[tilespmem:s15], [sflag:$0x1] =	stream.indirect.gather [hbm4b:s3+s9], $0x80, s24, s9, $0xb8;
	[tilespmem:$0x10400] =	vst v63  }
0x82: {  	_ =	swait.ge [sflag:s16], $0x4000  }
0x83: {  	[sflag:s16] =	ssyncset.done $0x0  }
0x84: {  	[sflag:s16] =	ssyncadd.s32 $0xFFFFC000  }
0x85: {  	[hbm4b:s25+s4] =	stream.linear.scatter [tilespmem:s10], [sflag:$0x2], $0x4000, $0x38;
	[tilespmem:$0x10400] =	vst v63  }
0x86: {  	_ =	swait.ge [sflag:s16], $0x4000  }
0x87: {  	[sflag:s16] =	ssyncset.done $0x0  }
0x88: {  	[sflag:s16] =	ssyncadd.s32 $0xFFFFC000  }
0x89: {  	[hbm4b:s26+s4] =	stream.linear.scatter [tilespmem:s11], [sflag:$0x2], $0x4000, $0x38;
	[tilespmem:$0x10400] =	vst v63  }
0x8a: {  	_ =	swait.ge [sflag:s16], $0x4000  }
0x8b: {  	[sflag:s16] =	ssyncset.done $0x0  }
0x8c: {  	[sflag:s16] =	ssyncadd.s32 $0xFFFFC000  }
0x8d: {  	[hbm4b:s28+s4] =	stream.linear.scatter [tilespmem:s13], [sflag:$0x2], $0x4000, $0x38;
	[tilespmem:$0x10400] =	vst v63  }
0x8e: {  	_ =	swait.ge [sflag:s16], $0x4000  }
0x8f: {  	[sflag:s16] =	ssyncset.done $0x0  }
0x90: {  	[sflag:s16] =	ssyncadd.s32 $0xFFFFC000  }
0x91: {  	[hbm4b:s29+s4] =	stream.linear.scatter [tilespmem:s15], [sflag:$0x2], $0x4000, $0x38;
	[tilespmem:$0x10400] =	vst v63  }
0x92: {  	_ =	swait.ge [sflag:s21], $0x4000  }
0x93: {  	[sflag:s21] =	ssyncset.done $0x0  }
0x94: {  	[sflag:s21] =	ssyncadd.s32 $0xFFFFC000  }
0x95: {  	_ =	swait.ge [sflag:s21], $0x4000  }
0x96: {  	[sflag:s21] =	ssyncset.done $0x0  }
0x97: {  	[sflag:s21] =	ssyncadd.s32 $0xFFFFC000  }
.Ltmp1:
0x98: {  	_ =	swait.ge [sflag:s21], $0x4000;
	(pc) =	sbr.rel @p0 .LBB2_1-.Ltmp1, $4  }
0x99: {  	[sflag:s21] =	ssyncset.done $0x0  }
0x9a: {  	[sflag:s21] =	ssyncadd.s32 $0xFFFFC000  }
0x9b: {  	_ =	swait.ge [sflag:s21], $0x4000  }
0x9c: {  	[sflag:s21] =	ssyncset.done $0x0  }
.LBB2_2:
0x9d: {  	[sflag:s21] =	ssyncadd.s32 $0xFFFFC000  }
0x9e: {  	_ =	sfence.sel $0x180000  }
0x9f: {  	[bflag:$0x0] =	sbarrier.arrive $0xFFFF  }
0xa0: {  	_ =	strace $0x9000004A  }
0xa1: {  	[bflag:$0x2] =	sbarrier.arrive $0xFFFF  }
0xa2: {  	p0 =	sne.s32 s0, $0x0;
	s0 =	rddreg [dreg:$0x3]  }
0xa3: {  	s0 =	sadd.s32 @!p0 $0x100000, s0  }
0xa4: {  	[sflag:s0] =	ssyncadd.tile.s32 @!p0 $0x1;
	_ =	shalt  }
.Lfunc_end2:
_tile_overlayer_lowered:
.L_overlay_start_2:
0xa5: {  	(tag) =	ssettag $0x2  }
0xa6: {  	s0 =	rddreg [dreg:$0x0];
	s2 =	stileid.u32  }
0xa7: {  	s1 =	rddreg [dreg:$0x1];
	p0 =	sne.s32 s2, $0x0  }
0xa8: {  	s3 =	rddreg [dreg:$0x2];
	[bflag:$0x3] =	sbarrier.arrive $0xFFFF;
	s2 =	simm.s32 @!p0 $0x1C03  }
0xa9: {  	[timem:s3], [sflag:s2] =	dma.local @!p0 [hbm:s0], s1  }
0xaa: {  	s0 =	simm.s32 @!p0 $0x3  }
0xab: {  	_ =	swait.ge @!p0 [sflag:s0], s1  }
0xac: {  	s1 =	ssub.s32 @!p0 $0x0, s1;
	[sflag:s0] =	ssyncset.done @!p0 $0x0  }
0xad: {  	[sflag:s0] =	ssyncadd.s32 @!p0 s1  }
0xae: {  	[bflag:$0x3] =	sbarrier.arrive $0xFFFF  }
0xaf: {  	_ =	shalt  }

</sc_bundles>
